<compile_context>
chip_gen: v7x
topology: tpu7x:2x2x1
jax: 0.10.2.dev20260603
libtpu: 0.0.44.dev20260713+nightly
codegen_flags: <defaults>
</compile_context>

<pallas_src>
import functools

import jax
import jax.numpy as jnp
from jax import lax
from jax.experimental import pallas as pl
from jax.experimental.pallas import tpu as pltpu
from jax.experimental.pallas import tpu_sc as plsc

_N_BUF = 16
_CHUNK_ROWS = 256
_TC_ROWS = 5120
_NC, _NS = 2, 16
_NW = _NC * _NS
_SC_CHUNK = 16


def _dma_pipeline(in_ref, out_ref, bufs, in_sems, out_sems):
    n_chunks = out_ref.shape[0] // _CHUNK_ROWS

    def copy_in(i):
        return pltpu.make_async_copy(
            in_ref.at[pl.ds(i * _CHUNK_ROWS, _CHUNK_ROWS)],
            bufs.at[i % _N_BUF],
            in_sems.at[i % _N_BUF],
        )

    def copy_out(i):
        return pltpu.make_async_copy(
            bufs.at[i % _N_BUF],
            out_ref.at[pl.ds(i * _CHUNK_ROWS, _CHUNK_ROWS)],
            out_sems.at[i % _N_BUF],
        )

    for i in range(min(_N_BUF, n_chunks)):
        copy_in(i).start()
    for i in range(n_chunks):
        copy_in(i).wait()
        copy_out(i).start()
        j = i + _N_BUF
        if j < n_chunks:
            copy_out(j - _N_BUF).wait()
            copy_in(j).start()
    for i in range(max(0, n_chunks - _N_BUF), n_chunks):
        copy_out(i).wait()


def _sc_copy(row_base, sc_rows, in_hbm, out_hbm, bufs, in_sems, out_sems):
    rows_w = sc_rows // _NW
    n_chunks = rows_w // _SC_CHUNK
    wid = lax.axis_index("s") * _NC + lax.axis_index("c")
    in_base = row_base + wid * rows_w
    out_base = wid * rows_w

    def copy_in(i):
        return pltpu.make_async_copy(
            in_hbm.at[pl.ds(in_base + i * _SC_CHUNK, _SC_CHUNK)],
            bufs.at[i % 2],
            in_sems.at[i % 2],
        )

    def copy_out(i):
        return pltpu.make_async_copy(
            bufs.at[i % 2],
            out_hbm.at[pl.ds(out_base + i * _SC_CHUNK, _SC_CHUNK)],
            out_sems.at[i % 2],
        )

    copy_in(0).start()
    copy_in(1).start()
    for i in range(n_chunks):
        copy_in(i).wait()
        copy_out(i).start()
        j = i + 2
        if j < n_chunks:
            copy_out(j - 2).wait()
            copy_in(j).start()
    copy_out(n_chunks - 2).wait()
    copy_out(n_chunks - 1).wait()


def kernel(hidden_states):
    B, S, C = hidden_states.shape
    rows = B * S
    sc_rows = rows - _TC_ROWS
    x = hidden_states.reshape(rows, C)

    out_tc = pl.pallas_call(
        _dma_pipeline,
        in_specs=[pl.BlockSpec(memory_space=pl.ANY)],
        out_specs=pl.BlockSpec(memory_space=pl.ANY),
        out_shape=jax.ShapeDtypeStruct((_TC_ROWS, C), hidden_states.dtype),
        scratch_shapes=[
            pltpu.VMEM((_N_BUF, _CHUNK_ROWS, C), hidden_states.dtype),
            pltpu.SemaphoreType.DMA((_N_BUF,)),
            pltpu.SemaphoreType.DMA((_N_BUF,)),
        ],
    )(x)

    mesh = plsc.VectorSubcoreMesh(core_axis_name="c", subcore_axis_name="s")
    out_sc = pl.kernel(
        functools.partial(_sc_copy, _TC_ROWS, sc_rows),
        mesh=mesh,
        out_type=jax.ShapeDtypeStruct((sc_rows, C), hidden_states.dtype),
        scratch_types=[
            pltpu.VMEM((2, _SC_CHUNK, C), hidden_states.dtype),
            pltpu.SemaphoreType.DMA((2,)),
            pltpu.SemaphoreType.DMA((2,)),
        ],
    )(x)

    out = jnp.concatenate([out_tc, out_sc], axis=0)
    return out.reshape(B, S, C)

# --- scband reference (transcript-rebuilt; emitter-appended) ---
"""Pipeline reference for scband-permutation-quantizer-37228776521744 (READ-ONLY COPY).

The authoritative reference and input builder live on the scoring server;
editing this copy changes nothing except your own understanding.
"""

import jax, jax.numpy as jnp
import numpy as np

ACT_GROUP_SIZE = 128

def setup_inputs(seed: int = 0) -> dict:
    key = jax.random.key(seed)
    hidden_states = jax.random.normal(key, (2, 4096, 2048), dtype=jnp.float32)
    return {"hidden_states": hidden_states}

def reference(hidden_states):
    # PermutationQuantizer.forward with default state:
    #  - permutation_indices is None -> no permutation gather
    #  - static == False -> dynamic quant path; act_quant is identity
    C = hidden_states.shape[-1]
    num_groups = C // ACT_GROUP_SIZE
    if num_groups > 2:
        last_two_group_start = (num_groups - 3) * ACT_GROUP_SIZE
        last_two_groups = hidden_states[..., last_two_group_start:]
        quantized = hidden_states  # act_quant = identity
        # scatter-overwrite of the tail channel slice (mathematically a no-op here,
        # but kept faithful to the original control/data flow)
        quantized = quantized.at[..., last_two_group_start:].set(last_two_groups)
        hidden_states = quantized
    # inverse_permutation_indices is None -> return as-is
    return hidden_states

if __name__ == "__main__":
    import jax
    _d = setup_inputs()
    print(jax.jit(kernel)(*tuple(_d.values())))

</pallas_src>

<mosaic_0001>
#map = affine_map<(d0, d1) -> (0, 0)>
module attributes {stable_mosaic.version = 14 : i64} {
  func.func @_sc_copy(%arg0: i32, %arg1: i32, %arg2: memref<8192x2048xf32, #tpu.memory_space<hbm>>, %arg3: memref<3072x2048xf32, #tpu.memory_space<hbm>>, %arg4: memref<2x16x2048xf32, #tpu.memory_space<vmem>>, %arg5: memref<2x!tpu.dma_semaphore, #tpu.memory_space<semaphore_mem>>, %arg6: memref<2x!tpu.dma_semaphore, #tpu.memory_space<semaphore_mem>>) attributes {dimension_semantics = [#tpu.dimension_semantics<core_parallel>, #tpu.dimension_semantics<subcore_parallel>], iteration_bounds = array<i64: 2, 16>, scalar_prefetch = 0 : i64, scratch_operands = 3 : i64, tpu.core_type = #tpu.core_type<sc_vector_subcore>, window_params = [{transform_indices = #map}, {transform_indices = #map}]} {
    %mul3A = arith.constant 2 : i32
    %mul3A_0 = arith.muli %arg1, %mul3A : i32
    %add3A = arith.addi %mul3A_0, %arg0 : i32
    %mul3A_1 = arith.constant 96 : i32
    %mul3A_2 = arith.muli %add3A, %mul3A_1 : i32
    %add3A_3 = arith.constant 5120 : i32
    %add3A_4 = arith.addi %add3A_3, %mul3A_2 : i32
    %mul3A_5 = arith.constant 96 : i32
    %mul3A_6 = arith.muli %add3A, %mul3A_5 : i32
    %add3A_7 = arith.constant 0 : i32
    %add3A_8 = arith.addi %add3A_4, %add3A_7 : i32
    %dma_start3A = arith.constant 0 : i32
    %dma_start3A_9 = arith.constant 0 : i32
    %dma_start3A_10 = arith.constant 0 : i32
    %dma_start3A_11 = arith.constant 0 : i32
    %dma_start3A_12 = tpu.memref_slice %arg4[%dma_start3A, %dma_start3A_10, %dma_start3A_11] : memref<2x16x2048xf32, #tpu.memory_space<vmem>> -> memref<1x16x2048xf32, #tpu.memory_space<vmem>>
    %dma_start3A_13 = tpu.memref_squeeze %dma_start3A_12 : memref<1x16x2048xf32, #tpu.memory_space<vmem>> -> memref<16x2048xf32, #tpu.memory_space<vmem>>
    %dma_start3A_14 = arith.constant 0 : i32
    %dma_start3A_15 = tpu.memref_slice %arg2[%add3A_8, %dma_start3A_14] : memref<8192x2048xf32, #tpu.memory_space<hbm>> -> memref<16x2048xf32, #tpu.memory_space<hbm>>
    %dma_start3A_16 = tpu.memref_slice %arg5[%dma_start3A_9] : memref<2x!tpu.dma_semaphore, #tpu.memory_space<semaphore_mem>> -> memref<1x!tpu.dma_semaphore, #tpu.memory_space<semaphore_mem>>
    %dma_start3A_17 = tpu.memref_squeeze %dma_start3A_16 : memref<1x!tpu.dma_semaphore, #tpu.memory_space<semaphore_mem>> -> memref<!tpu.dma_semaphore, #tpu.memory_space<semaphore_mem>>
    %dma_start3A_18 = arith.constant 0 : i32
    %dma_start3A_19 = arith.constant 0 : i32
    %dma_start3A_20 = tpu.memref_slice %arg4[%dma_start3A, %dma_start3A_18, %dma_start3A_19] : memref<2x16x2048xf32, #tpu.memory_space<vmem>> -> memref<1x16x2048xf32, #tpu.memory_space<vmem>>
    %dma_start3A_21 = tpu.memref_squeeze %dma_start3A_20 : memref<1x16x2048xf32, #tpu.memory_space<vmem>> -> memref<16x2048xf32, #tpu.memory_space<vmem>>
    %dma_start3A_22 = arith.constant 0 : i32
    %dma_start3A_23 = tpu.memref_slice %arg2[%add3A_8, %dma_start3A_22] : memref<8192x2048xf32, #tpu.memory_space<hbm>> -> memref<16x2048xf32, #tpu.memory_space<hbm>>
    tpu.enqueue_dma source(%dma_start3A_23 : memref<16x2048xf32, #tpu.memory_space<hbm>>) target(%dma_start3A_21 : memref<16x2048xf32, #tpu.memory_space<vmem>>) target_semaphore(%dma_start3A_17 : memref<!tpu.dma_semaphore, #tpu.memory_space<semaphore_mem>>)
    %add3A_24 = arith.constant 16 : i32
    %add3A_25 = arith.addi %add3A_4, %add3A_24 : i32
    %dma_start3A_26 = arith.constant 1 : i32
    %dma_start3A_27 = arith.constant 1 : i32
    %dma_start3A_28 = arith.constant 0 : i32
    %dma_start3A_29 = arith.constant 0 : i32
    %dma_start3A_30 = tpu.memref_slice %arg4[%dma_start3A_26, %dma_start3A_28, %dma_start3A_29] : memref<2x16x2048xf32, #tpu.memory_space<vmem>> -> memref<1x16x2048xf32, #tpu.memory_space<vmem>>
    %dma_start3A_31 = tpu.memref_squeeze %dma_start3A_30 : memref<1x16x2048xf32, #tpu.memory_space<vmem>> -> memref<16x2048xf32, #tpu.memory_space<vmem>>
    %dma_start3A_32 = arith.constant 0 : i32
    %dma_start3A_33 = tpu.memref_slice %arg2[%add3A_25, %dma_start3A_32] : memref<8192x2048xf32, #tpu.memory_space<hbm>> -> memref<16x2048xf32, #tpu.memory_space<hbm>>
    %dma_start3A_34 = tpu.memref_slice %arg5[%dma_start3A_27] : memref<2x!tpu.dma_semaphore, #tpu.memory_space<semaphore_mem>> -> memref<1x!tpu.dma_semaphore, #tpu.memory_space<semaphore_mem>>
    %dma_start3A_35 = tpu.memref_squeeze %dma_start3A_34 : memref<1x!tpu.dma_semaphore, #tpu.memory_space<semaphore_mem>> -> memref<!tpu.dma_semaphore, #tpu.memory_space<semaphore_mem>>
    %dma_start3A_36 = arith.constant 0 : i32
    %dma_start3A_37 = arith.constant 0 : i32
    %dma_start3A_38 = tpu.memref_slice %arg4[%dma_start3A_26, %dma_start3A_36, %dma_start3A_37] : memref<2x16x2048xf32, #tpu.memory_space<vmem>> -> memref<1x16x2048xf32, #tpu.memory_space<vmem>>
    %dma_start3A_39 = tpu.memref_squeeze %dma_start3A_38 : memref<1x16x2048xf32, #tpu.memory_space<vmem>> -> memref<16x2048xf32, #tpu.memory_space<vmem>>
    %dma_start3A_40 = arith.constant 0 : i32
    %dma_start3A_41 = tpu.memref_slice %arg2[%add3A_25, %dma_start3A_40] : memref<8192x2048xf32, #tpu.memory_space<hbm>> -> memref<16x2048xf32, #tpu.memory_space<hbm>>
    tpu.enqueue_dma source(%dma_start3A_41 : memref<16x2048xf32, #tpu.memory_space<hbm>>) target(%dma_start3A_39 : memref<16x2048xf32, #tpu.memory_space<vmem>>) target_semaphore(%dma_start3A_35 : memref<!tpu.dma_semaphore, #tpu.memory_space<semaphore_mem>>)
    %add3A_42 = arith.constant 0 : i32
    %add3A_43 = arith.addi %add3A_4, %add3A_42 : i32
    %dma_wait3A = arith.constant 0 : i32
    %dma_wait3A_44 = arith.constant 0 : i32
    %dma_wait3A_45 = arith.constant 0 : i32
    %dma_wait3A_46 = arith.constant 0 : i32
    %dma_wait3A_47 = tpu.memref_slice %arg4[%dma_wait3A, %dma_wait3A_45, %dma_wait3A_46] : memref<2x16x2048xf32, #tpu.memory_space<vmem>> -> memref<1x16x2048xf32, #tpu.memory_space<vmem>>
    %dma_wait3A_48 = tpu.memref_squeeze %dma_wait3A_47 : memref<1x16x2048xf32, #tpu.memory_space<vmem>> -> memref<16x2048xf32, #tpu.memory_space<vmem>>
    %dma_wait3A_49 = arith.constant 0 : i32
    %dma_wait3A_50 = tpu.memref_slice %arg2[%add3A_43, %dma_wait3A_49] : memref<8192x2048xf32, #tpu.memory_space<hbm>> -> memref<16x2048xf32, #tpu.memory_space<hbm>>
    %dma_wait3A_51 = tpu.memref_slice %arg5[%dma_wait3A_44] : memref<2x!tpu.dma_semaphore, #tpu.memory_space<semaphore_mem>> -> memref<1x!tpu.dma_semaphore, #tpu.memory_space<semaphore_mem>>
    %dma_wait3A_52 = tpu.memref_squeeze %dma_wait3A_51 : memref<1x!tpu.dma_semaphore, #tpu.memory_space<semaphore_mem>> -> memref<!tpu.dma_semaphore, #tpu.memory_space<semaphore_mem>>
    %dma_wait3A_53 = arith.constant 0 : i32
    %dma_wait3A_54 = arith.constant 0 : i32
    %dma_wait3A_55 = tpu.memref_slice %arg4[%dma_wait3A, %dma_wait3A_53, %dma_wait3A_54] : memref<2x16x2048xf32, #tpu.memory_space<vmem>> -> memref<1x16x2048xf32, #tpu.memory_space<vmem>>
    %dma_wait3A_56 = tpu.memref_squeeze %dma_wait3A_55 : memref<1x16x2048xf32, #tpu.memory_space<vmem>> -> memref<16x2048xf32, #tpu.memory_space<vmem>>
    %dma_wait3A_57 = arith.constant 0 : i32
    %dma_wait3A_58 = tpu.memref_slice %arg2[%add3A_43, %dma_wait3A_57] : memref<8192x2048xf32, #tpu.memory_space<hbm>> -> memref<16x2048xf32, #tpu.memory_space<hbm>>
    tpu.wait_dma2 semaphore(%dma_wait3A_52 : memref<!tpu.dma_semaphore, #tpu.memory_space<semaphore_mem>>) src(%dma_wait3A_58 : memref<16x2048xf32, #tpu.memory_space<hbm>>) dst(%dma_wait3A_56 : memref<16x2048xf32, #tpu.memory_space<vmem>>)
    %add3A_59 = arith.constant 0 : i32
    %add3A_60 = arith.addi %mul3A_6, %add3A_59 : i32
    %dma_start3A_61 = arith.constant 0 : i32
    %dma_start3A_62 = arith.constant 0 : i32
    %dma_start3A_63 = arith.constant 0 : i32
    %dma_start3A_64 = arith.constant 0 : i32
    %dma_start3A_65 = tpu.memref_slice %arg4[%dma_start3A_61, %dma_start3A_63, %dma_start3A_64] : memref<2x16x2048xf32, #tpu.memory_space<vmem>> -> memref<1x16x2048xf32, #tpu.memory_space<vmem>>
    %dma_start3A_66 = tpu.memref_squeeze %dma_start3A_65 : memref<1x16x2048xf32, #tpu.memory_space<vmem>> -> memref<16x2048xf32, #tpu.memory_space<vmem>>
    %dma_start3A_67 = arith.constant 0 : i32
    %dma_start3A_68 = tpu.memref_slice %arg3[%add3A_60, %dma_start3A_67] : memref<3072x2048xf32, #tpu.memory_space<hbm>> -> memref<16x2048xf32, #tpu.memory_space<hbm>>
    %dma_start3A_69 = tpu.memref_slice %arg6[%dma_start3A_62] : memref<2x!tpu.dma_semaphore, #tpu.memory_space<semaphore_mem>> -> memref<1x!tpu.dma_semaphore, #tpu.memory_space<semaphore_mem>>
    %dma_start3A_70 = tpu.memref_squeeze %dma_start3A_69 : memref<1x!tpu.dma_semaphore, #tpu.memory_space<semaphore_mem>> -> memref<!tpu.dma_semaphore, #tpu.memory_space<semaphore_mem>>
    %dma_start3A_71 = arith.constant 0 : i32
    %dma_start3A_72 = tpu.memref_slice %arg3[%add3A_60, %dma_start3A_71] : memref<3072x2048xf32, #tpu.memory_space<hbm>> -> memref<16x2048xf32, #tpu.memory_space<hbm>>
    %dma_start3A_73 = arith.constant 0 : i32
    %dma_start3A_74 = arith.constant 0 : i32
    %dma_start3A_75 = tpu.memref_slice %arg4[%dma_start3A_61, %dma_start3A_73, %dma_start3A_74] : memref<2x16x2048xf32, #tpu.memory_space<vmem>> -> memref<1x16x2048xf32, #tpu.memory_space<vmem>>
    %dma_start3A_76 = tpu.memref_squeeze %dma_start3A_75 : memref<1x16x2048xf32, #tpu.memory_space<vmem>> -> memref<16x2048xf32, #tpu.memory_space<vmem>>
    tpu.enqueue_dma source(%dma_start3A_76 : memref<16x2048xf32, #tpu.memory_space<vmem>>) target(%dma_start3A_72 : memref<16x2048xf32, #tpu.memory_space<hbm>>) target_semaphore(%dma_start3A_70 : memref<!tpu.dma_semaphore, #tpu.memory_space<semaphore_mem>>)
    %add3A_77 = arith.constant 0 : i32
    %add3A_78 = arith.addi %mul3A_6, %add3A_77 : i32
    %dma_wait3A_79 = arith.constant 0 : i32
    %dma_wait3A_80 = arith.constant 0 : i32
    %dma_wait3A_81 = arith.constant 0 : i32
    %dma_wait3A_82 = arith.constant 0 : i32
    %dma_wait3A_83 = tpu.memref_slice %arg4[%dma_wait3A_79, %dma_wait3A_81, %dma_wait3A_82] : memref<2x16x2048xf32, #tpu.memory_space<vmem>> -> memref<1x16x2048xf32, #tpu.memory_space<vmem>>
    %dma_wait3A_84 = tpu.memref_squeeze %dma_wait3A_83 : memref<1x16x2048xf32, #tpu.memory_space<vmem>> -> memref<16x2048xf32, #tpu.memory_space<vmem>>
    %dma_wait3A_85 = arith.constant 0 : i32
    %dma_wait3A_86 = tpu.memref_slice %arg3[%add3A_78, %dma_wait3A_85] : memref<3072x2048xf32, #tpu.memory_space<hbm>> -> memref<16x2048xf32, #tpu.memory_space<hbm>>
    %dma_wait3A_87 = tpu.memref_slice %arg6[%dma_wait3A_80] : memref<2x!tpu.dma_semaphore, #tpu.memory_space<semaphore_mem>> -> memref<1x!tpu.dma_semaphore, #tpu.memory_space<semaphore_mem>>
    %dma_wait3A_88 = tpu.memref_squeeze %dma_wait3A_87 : memref<1x!tpu.dma_semaphore, #tpu.memory_space<semaphore_mem>> -> memref<!tpu.dma_semaphore, #tpu.memory_space<semaphore_mem>>
    %dma_wait3A_89 = arith.constant 0 : i32
    %dma_wait3A_90 = tpu.memref_slice %arg3[%add3A_78, %dma_wait3A_89] : memref<3072x2048xf32, #tpu.memory_space<hbm>> -> memref<16x2048xf32, #tpu.memory_space<hbm>>
    %dma_wait3A_91 = arith.constant 0 : i32
    %dma_wait3A_92 = arith.constant 0 : i32
    %dma_wait3A_93 = tpu.memref_slice %arg4[%dma_wait3A_79, %dma_wait3A_91, %dma_wait3A_92] : memref<2x16x2048xf32, #tpu.memory_space<vmem>> -> memref<1x16x2048xf32, #tpu.memory_space<vmem>>
    %dma_wait3A_94 = tpu.memref_squeeze %dma_wait3A_93 : memref<1x16x2048xf32, #tpu.memory_space<vmem>> -> memref<16x2048xf32, #tpu.memory_space<vmem>>
    tpu.wait_dma2 semaphore(%dma_wait3A_88 : memref<!tpu.dma_semaphore, #tpu.memory_space<semaphore_mem>>) src(%dma_wait3A_94 : memref<16x2048xf32, #tpu.memory_space<vmem>>) dst(%dma_wait3A_90 : memref<16x2048xf32, #tpu.memory_space<hbm>>)
    %add3A_95 = arith.constant 32 : i32
    %add3A_96 = arith.addi %add3A_4, %add3A_95 : i32
    %dma_start3A_97 = arith.constant 0 : i32
    %dma_start3A_98 = arith.constant 0 : i32
    %dma_start3A_99 = arith.constant 0 : i32
    %dma_start3A_100 = arith.constant 0 : i32
    %dma_start3A_101 = tpu.memref_slice %arg4[%dma_start3A_97, %dma_start3A_99, %dma_start3A_100] : memref<2x16x2048xf32, #tpu.memory_space<vmem>> -> memref<1x16x2048xf32, #tpu.memory_space<vmem>>
    %dma_start3A_102 = tpu.memref_squeeze %dma_start3A_101 : memref<1x16x2048xf32, #tpu.memory_space<vmem>> -> memref<16x2048xf32, #tpu.memory_space<vmem>>
    %dma_start3A_103 = arith.constant 0 : i32
    %dma_start3A_104 = tpu.memref_slice %arg2[%add3A_96, %dma_start3A_103] : memref<8192x2048xf32, #tpu.memory_space<hbm>> -> memref<16x2048xf32, #tpu.memory_space<hbm>>
    %dma_start3A_105 = tpu.memref_slice %arg5[%dma_start3A_98] : memref<2x!tpu.dma_semaphore, #tpu.memory_space<semaphore_mem>> -> memref<1x!tpu.dma_semaphore, #tpu.memory_space<semaphore_mem>>
    %dma_start3A_106 = tpu.memref_squeeze %dma_start3A_105 : memref<1x!tpu.dma_semaphore, #tpu.memory_space<semaphore_mem>> -> memref<!tpu.dma_semaphore, #tpu.memory_space<semaphore_mem>>
    %dma_start3A_107 = arith.constant 0 : i32
    %dma_start3A_108 = arith.constant 0 : i32
    %dma_start3A_109 = tpu.memref_slice %arg4[%dma_start3A_97, %dma_start3A_107, %dma_start3A_108] : memref<2x16x2048xf32, #tpu.memory_space<vmem>> -> memref<1x16x2048xf32, #tpu.memory_space<vmem>>
    %dma_start3A_110 = tpu.memref_squeeze %dma_start3A_109 : memref<1x16x2048xf32, #tpu.memory_space<vmem>> -> memref<16x2048xf32, #tpu.memory_space<vmem>>
    %dma_start3A_111 = arith.constant 0 : i32
    %dma_start3A_112 = tpu.memref_slice %arg2[%add3A_96, %dma_start3A_111] : memref<8192x2048xf32, #tpu.memory_space<hbm>> -> memref<16x2048xf32, #tpu.memory_space<hbm>>
    tpu.enqueue_dma source(%dma_start3A_112 : memref<16x2048xf32, #tpu.memory_space<hbm>>) target(%dma_start3A_110 : memref<16x2048xf32, #tpu.memory_space<vmem>>) target_semaphore(%dma_start3A_106 : memref<!tpu.dma_semaphore, #tpu.memory_space<semaphore_mem>>)
    %add3A_113 = arith.constant 16 : i32
    %add3A_114 = arith.addi %add3A_4, %add3A_113 : i32
    %dma_wait3A_115 = arith.constant 1 : i32
    %dma_wait3A_116 = arith.constant 1 : i32
    %dma_wait3A_117 = arith.constant 0 : i32
    %dma_wait3A_118 = arith.constant 0 : i32
    %dma_wait3A_119 = tpu.memref_slice %arg4[%dma_wait3A_115, %dma_wait3A_117, %dma_wait3A_118] : memref<2x16x2048xf32, #tpu.memory_space<vmem>> -> memref<1x16x2048xf32, #tpu.memory_space<vmem>>
    %dma_wait3A_120 = tpu.memref_squeeze %dma_wait3A_119 : memref<1x16x2048xf32, #tpu.memory_space<vmem>> -> memref<16x2048xf32, #tpu.memory_space<vmem>>
    %dma_wait3A_121 = arith.constant 0 : i32
    %dma_wait3A_122 = tpu.memref_slice %arg2[%add3A_114, %dma_wait3A_121] : memref<8192x2048xf32, #tpu.memory_space<hbm>> -> memref<16x2048xf32, #tpu.memory_space<hbm>>
    %dma_wait3A_123 = tpu.memref_slice %arg5[%dma_wait3A_116] : memref<2x!tpu.dma_semaphore, #tpu.memory_space<semaphore_mem>> -> memref<1x!tpu.dma_semaphore, #tpu.memory_space<semaphore_mem>>
    %dma_wait3A_124 = tpu.memref_squeeze %dma_wait3A_123 : memref<1x!tpu.dma_semaphore, #tpu.memory_space<semaphore_mem>> -> memref<!tpu.dma_semaphore, #tpu.memory_space<semaphore_mem>>
    %dma_wait3A_125 = arith.constant 0 : i32
    %dma_wait3A_126 = arith.constant 0 : i32
    %dma_wait3A_127 = tpu.memref_slice %arg4[%dma_wait3A_115, %dma_wait3A_125, %dma_wait3A_126] : memref<2x16x2048xf32, #tpu.memory_space<vmem>> -> memref<1x16x2048xf32, #tpu.memory_space<vmem>>
    %dma_wait3A_128 = tpu.memref_squeeze %dma_wait3A_127 : memref<1x16x2048xf32, #tpu.memory_space<vmem>> -> memref<16x2048xf32, #tpu.memory_space<vmem>>
    %dma_wait3A_129 = arith.constant 0 : i32
    %dma_wait3A_130 = tpu.memref_slice %arg2[%add3A_114, %dma_wait3A_129] : memref<8192x2048xf32, #tpu.memory_space<hbm>> -> memref<16x2048xf32, #tpu.memory_space<hbm>>
    tpu.wait_dma2 semaphore(%dma_wait3A_124 : memref<!tpu.dma_semaphore, #tpu.memory_space<semaphore_mem>>) src(%dma_wait3A_130 : memref<16x2048xf32, #tpu.memory_space<hbm>>) dst(%dma_wait3A_128 : memref<16x2048xf32, #tpu.memory_space<vmem>>)
    %add3A_131 = arith.constant 16 : i32
    %add3A_132 = arith.addi %mul3A_6, %add3A_131 : i32
    %dma_start3A_133 = arith.constant 1 : i32
    %dma_start3A_134 = arith.constant 1 : i32
    %dma_start3A_135 = arith.constant 0 : i32
    %dma_start3A_136 = arith.constant 0 : i32
    %dma_start3A_137 = tpu.memref_slice %arg4[%dma_start3A_133, %dma_start3A_135, %dma_start3A_136] : memref<2x16x2048xf32, #tpu.memory_space<vmem>> -> memref<1x16x2048xf32, #tpu.memory_space<vmem>>
    %dma_start3A_138 = tpu.memref_squeeze %dma_start3A_137 : memref<1x16x2048xf32, #tpu.memory_space<vmem>> -> memref<16x2048xf32, #tpu.memory_space<vmem>>
    %dma_start3A_139 = arith.constant 0 : i32
    %dma_start3A_140 = tpu.memref_slice %arg3[%add3A_132, %dma_start3A_139] : memref<3072x2048xf32, #tpu.memory_space<hbm>> -> memref<16x2048xf32, #tpu.memory_space<hbm>>
    %dma_start3A_141 = tpu.memref_slice %arg6[%dma_start3A_134] : memref<2x!tpu.dma_semaphore, #tpu.memory_space<semaphore_mem>> -> memref<1x!tpu.dma_semaphore, #tpu.memory_space<semaphore_mem>>
    %dma_start3A_142 = tpu.memref_squeeze %dma_start3A_141 : memref<1x!tpu.dma_semaphore, #tpu.memory_space<semaphore_mem>> -> memref<!tpu.dma_semaphore, #tpu.memory_space<semaphore_mem>>
    %dma_start3A_143 = arith.constant 0 : i32
    %dma_start3A_144 = tpu.memref_slice %arg3[%add3A_132, %dma_start3A_143] : memref<3072x2048xf32, #tpu.memory_space<hbm>> -> memref<16x2048xf32, #tpu.memory_space<hbm>>
    %dma_start3A_145 = arith.constant 0 : i32
    %dma_start3A_146 = arith.constant 0 : i32
    %dma_start3A_147 = tpu.memref_slice %arg4[%dma_start3A_133, %dma_start3A_145, %dma_start3A_146] : memref<2x16x2048xf32, #tpu.memory_space<vmem>> -> memref<1x16x2048xf32, #tpu.memory_space<vmem>>
    %dma_start3A_148 = tpu.memref_squeeze %dma_start3A_147 : memref<1x16x2048xf32, #tpu.memory_space<vmem>> -> memref<16x2048xf32, #tpu.memory_space<vmem>>
    tpu.enqueue_dma source(%dma_start3A_148 : memref<16x2048xf32, #tpu.memory_space<vmem>>) target(%dma_start3A_144 : memref<16x2048xf32, #tpu.memory_space<hbm>>) target_semaphore(%dma_start3A_142 : memref<!tpu.dma_semaphore, #tpu.memory_space<semaphore_mem>>)
    %add3A_149 = arith.constant 16 : i32
    %add3A_150 = arith.addi %mul3A_6, %add3A_149 : i32
    %dma_wait3A_151 = arith.constant 1 : i32
    %dma_wait3A_152 = arith.constant 1 : i32
    %dma_wait3A_153 = arith.constant 0 : i32
    %dma_wait3A_154 = arith.constant 0 : i32
    %dma_wait3A_155 = tpu.memref_slice %arg4[%dma_wait3A_151, %dma_wait3A_153, %dma_wait3A_154] : memref<2x16x2048xf32, #tpu.memory_space<vmem>> -> memref<1x16x2048xf32, #tpu.memory_space<vmem>>
    %dma_wait3A_156 = tpu.memref_squeeze %dma_wait3A_155 : memref<1x16x2048xf32, #tpu.memory_space<vmem>> -> memref<16x2048xf32, #tpu.memory_space<vmem>>
    %dma_wait3A_157 = arith.constant 0 : i32
    %dma_wait3A_158 = tpu.memref_slice %arg3[%add3A_150, %dma_wait3A_157] : memref<3072x2048xf32, #tpu.memory_space<hbm>> -> memref<16x2048xf32, #tpu.memory_space<hbm>>
    %dma_wait3A_159 = tpu.memref_slice %arg6[%dma_wait3A_152] : memref<2x!tpu.dma_semaphore, #tpu.memory_space<semaphore_mem>> -> memref<1x!tpu.dma_semaphore, #tpu.memory_space<semaphore_mem>>
    %dma_wait3A_160 = tpu.memref_squeeze %dma_wait3A_159 : memref<1x!tpu.dma_semaphore, #tpu.memory_space<semaphore_mem>> -> memref<!tpu.dma_semaphore, #tpu.memory_space<semaphore_mem>>
    %dma_wait3A_161 = arith.constant 0 : i32
    %dma_wait3A_162 = tpu.memref_slice %arg3[%add3A_150, %dma_wait3A_161] : memref<3072x2048xf32, #tpu.memory_space<hbm>> -> memref<16x2048xf32, #tpu.memory_space<hbm>>
    %dma_wait3A_163 = arith.constant 0 : i32
    %dma_wait3A_164 = arith.constant 0 : i32
    %dma_wait3A_165 = tpu.memref_slice %arg4[%dma_wait3A_151, %dma_wait3A_163, %dma_wait3A_164] : memref<2x16x2048xf32, #tpu.memory_space<vmem>> -> memref<1x16x2048xf32, #tpu.memory_space<vmem>>
    %dma_wait3A_166 = tpu.memref_squeeze %dma_wait3A_165 : memref<1x16x2048xf32, #tpu.memory_space<vmem>> -> memref<16x2048xf32, #tpu.memory_space<vmem>>
    tpu.wait_dma2 semaphore(%dma_wait3A_160 : memref<!tpu.dma_semaphore, #tpu.memory_space<semaphore_mem>>) src(%dma_wait3A_166 : memref<16x2048xf32, #tpu.memory_space<vmem>>) dst(%dma_wait3A_162 : memref<16x2048xf32, #tpu.memory_space<hbm>>)
    %add3A_167 = arith.constant 48 : i32
    %add3A_168 = arith.addi %add3A_4, %add3A_167 : i32
    %dma_start3A_169 = arith.constant 1 : i32
    %dma_start3A_170 = arith.constant 1 : i32
    %dma_start3A_171 = arith.constant 0 : i32
    %dma_start3A_172 = arith.constant 0 : i32
    %dma_start3A_173 = tpu.memref_slice %arg4[%dma_start3A_169, %dma_start3A_171, %dma_start3A_172] : memref<2x16x2048xf32, #tpu.memory_space<vmem>> -> memref<1x16x2048xf32, #tpu.memory_space<vmem>>
    %dma_start3A_174 = tpu.memref_squeeze %dma_start3A_173 : memref<1x16x2048xf32, #tpu.memory_space<vmem>> -> memref<16x2048xf32, #tpu.memory_space<vmem>>
    %dma_start3A_175 = arith.constant 0 : i32
    %dma_start3A_176 = tpu.memref_slice %arg2[%add3A_168, %dma_start3A_175] : memref<8192x2048xf32, #tpu.memory_space<hbm>> -> memref<16x2048xf32, #tpu.memory_space<hbm>>
    %dma_start3A_177 = tpu.memref_slice %arg5[%dma_start3A_170] : memref<2x!tpu.dma_semaphore, #tpu.memory_space<semaphore_mem>> -> memref<1x!tpu.dma_semaphore, #tpu.memory_space<semaphore_mem>>
    %dma_start3A_178 = tpu.memref_squeeze %dma_start3A_177 : memref<1x!tpu.dma_semaphore, #tpu.memory_space<semaphore_mem>> -> memref<!tpu.dma_semaphore, #tpu.memory_space<semaphore_mem>>
    %dma_start3A_179 = arith.constant 0 : i32
    %dma_start3A_180 = arith.constant 0 : i32
    %dma_start3A_181 = tpu.memref_slice %arg4[%dma_start3A_169, %dma_start3A_179, %dma_start3A_180] : memref<2x16x2048xf32, #tpu.memory_space<vmem>> -> memref<1x16x2048xf32, #tpu.memory_space<vmem>>
    %dma_start3A_182 = tpu.memref_squeeze %dma_start3A_181 : memref<1x16x2048xf32, #tpu.memory_space<vmem>> -> memref<16x2048xf32, #tpu.memory_space<vmem>>
    %dma_start3A_183 = arith.constant 0 : i32
    %dma_start3A_184 = tpu.memref_slice %arg2[%add3A_168, %dma_start3A_183] : memref<8192x2048xf32, #tpu.memory_space<hbm>> -> memref<16x2048xf32, #tpu.memory_space<hbm>>
    tpu.enqueue_dma source(%dma_start3A_184 : memref<16x2048xf32, #tpu.memory_space<hbm>>) target(%dma_start3A_182 : memref<16x2048xf32, #tpu.memory_space<vmem>>) target_semaphore(%dma_start3A_178 : memref<!tpu.dma_semaphore, #tpu.memory_space<semaphore_mem>>)
    %add3A_185 = arith.constant 32 : i32
    %add3A_186 = arith.addi %add3A_4, %add3A_185 : i32
    %dma_wait3A_187 = arith.constant 0 : i32
    %dma_wait3A_188 = arith.constant 0 : i32
    %dma_wait3A_189 = arith.constant 0 : i32
    %dma_wait3A_190 = arith.constant 0 : i32
    %dma_wait3A_191 = tpu.memref_slice %arg4[%dma_wait3A_187, %dma_wait3A_189, %dma_wait3A_190] : memref<2x16x2048xf32, #tpu.memory_space<vmem>> -> memref<1x16x2048xf32, #tpu.memory_space<vmem>>
    %dma_wait3A_192 = tpu.memref_squeeze %dma_wait3A_191 : memref<1x16x2048xf32, #tpu.memory_space<vmem>> -> memref<16x2048xf32, #tpu.memory_space<vmem>>
    %dma_wait3A_193 = arith.constant 0 : i32
    %dma_wait3A_194 = tpu.memref_slice %arg2[%add3A_186, %dma_wait3A_193] : memref<8192x2048xf32, #tpu.memory_space<hbm>> -> memref<16x2048xf32, #tpu.memory_space<hbm>>
    %dma_wait3A_195 = tpu.memref_slice %arg5[%dma_wait3A_188] : memref<2x!tpu.dma_semaphore, #tpu.memory_space<semaphore_mem>> -> memref<1x!tpu.dma_semaphore, #tpu.memory_space<semaphore_mem>>
    %dma_wait3A_196 = tpu.memref_squeeze %dma_wait3A_195 : memref<1x!tpu.dma_semaphore, #tpu.memory_space<semaphore_mem>> -> memref<!tpu.dma_semaphore, #tpu.memory_space<semaphore_mem>>
    %dma_wait3A_197 = arith.constant 0 : i32
    %dma_wait3A_198 = arith.constant 0 : i32
    %dma_wait3A_199 = tpu.memref_slice %arg4[%dma_wait3A_187, %dma_wait3A_197, %dma_wait3A_198] : memref<2x16x2048xf32, #tpu.memory_space<vmem>> -> memref<1x16x2048xf32, #tpu.memory_space<vmem>>
    %dma_wait3A_200 = tpu.memref_squeeze %dma_wait3A_199 : memref<1x16x2048xf32, #tpu.memory_space<vmem>> -> memref<16x2048xf32, #tpu.memory_space<vmem>>
    %dma_wait3A_201 = arith.constant 0 : i32
    %dma_wait3A_202 = tpu.memref_slice %arg2[%add3A_186, %dma_wait3A_201] : memref<8192x2048xf32, #tpu.memory_space<hbm>> -> memref<16x2048xf32, #tpu.memory_space<hbm>>
    tpu.wait_dma2 semaphore(%dma_wait3A_196 : memref<!tpu.dma_semaphore, #tpu.memory_space<semaphore_mem>>) src(%dma_wait3A_202 : memref<16x2048xf32, #tpu.memory_space<hbm>>) dst(%dma_wait3A_200 : memref<16x2048xf32, #tpu.memory_space<vmem>>)
    %add3A_203 = arith.constant 32 : i32
    %add3A_204 = arith.addi %mul3A_6, %add3A_203 : i32
    %dma_start3A_205 = arith.constant 0 : i32
    %dma_start3A_206 = arith.constant 0 : i32
    %dma_start3A_207 = arith.constant 0 : i32
    %dma_start3A_208 = arith.constant 0 : i32
    %dma_start3A_209 = tpu.memref_slice %arg4[%dma_start3A_205, %dma_start3A_207, %dma_start3A_208] : memref<2x16x2048xf32, #tpu.memory_space<vmem>> -> memref<1x16x2048xf32, #tpu.memory_space<vmem>>
    %dma_start3A_210 = tpu.memref_squeeze %dma_start3A_209 : memref<1x16x2048xf32, #tpu.memory_space<vmem>> -> memref<16x2048xf32, #tpu.memory_space<vmem>>
    %dma_start3A_211 = arith.constant 0 : i32
    %dma_start3A_212 = tpu.memref_slice %arg3[%add3A_204, %dma_start3A_211] : memref<3072x2048xf32, #tpu.memory_space<hbm>> -> memref<16x2048xf32, #tpu.memory_space<hbm>>
    %dma_start3A_213 = tpu.memref_slice %arg6[%dma_start3A_206] : memref<2x!tpu.dma_semaphore, #tpu.memory_space<semaphore_mem>> -> memref<1x!tpu.dma_semaphore, #tpu.memory_space<semaphore_mem>>
    %dma_start3A_214 = tpu.memref_squeeze %dma_start3A_213 : memref<1x!tpu.dma_semaphore, #tpu.memory_space<semaphore_mem>> -> memref<!tpu.dma_semaphore, #tpu.memory_space<semaphore_mem>>
    %dma_start3A_215 = arith.constant 0 : i32
    %dma_start3A_216 = tpu.memref_slice %arg3[%add3A_204, %dma_start3A_215] : memref<3072x2048xf32, #tpu.memory_space<hbm>> -> memref<16x2048xf32, #tpu.memory_space<hbm>>
    %dma_start3A_217 = arith.constant 0 : i32
    %dma_start3A_218 = arith.constant 0 : i32
    %dma_start3A_219 = tpu.memref_slice %arg4[%dma_start3A_205, %dma_start3A_217, %dma_start3A_218] : memref<2x16x2048xf32, #tpu.memory_space<vmem>> -> memref<1x16x2048xf32, #tpu.memory_space<vmem>>
    %dma_start3A_220 = tpu.memref_squeeze %dma_start3A_219 : memref<1x16x2048xf32, #tpu.memory_space<vmem>> -> memref<16x2048xf32, #tpu.memory_space<vmem>>
    tpu.enqueue_dma source(%dma_start3A_220 : memref<16x2048xf32, #tpu.memory_space<vmem>>) target(%dma_start3A_216 : memref<16x2048xf32, #tpu.memory_space<hbm>>) target_semaphore(%dma_start3A_214 : memref<!tpu.dma_semaphore, #tpu.memory_space<semaphore_mem>>)
    %add3A_221 = arith.constant 32 : i32
    %add3A_222 = arith.addi %mul3A_6, %add3A_221 : i32
    %dma_wait3A_223 = arith.constant 0 : i32
    %dma_wait3A_224 = arith.constant 0 : i32
    %dma_wait3A_225 = arith.constant 0 : i32
    %dma_wait3A_226 = arith.constant 0 : i32
    %dma_wait3A_227 = tpu.memref_slice %arg4[%dma_wait3A_223, %dma_wait3A_225, %dma_wait3A_226] : memref<2x16x2048xf32, #tpu.memory_space<vmem>> -> memref<1x16x2048xf32, #tpu.memory_space<vmem>>
    %dma_wait3A_228 = tpu.memref_squeeze %dma_wait3A_227 : memref<1x16x2048xf32, #tpu.memory_space<vmem>> -> memref<16x2048xf32, #tpu.memory_space<vmem>>
    %dma_wait3A_229 = arith.constant 0 : i32
    %dma_wait3A_230 = tpu.memref_slice %arg3[%add3A_222, %dma_wait3A_229] : memref<3072x2048xf32, #tpu.memory_space<hbm>> -> memref<16x2048xf32, #tpu.memory_space<hbm>>
    %dma_wait3A_231 = tpu.memref_slice %arg6[%dma_wait3A_224] : memref<2x!tpu.dma_semaphore, #tpu.memory_space<semaphore_mem>> -> memref<1x!tpu.dma_semaphore, #tpu.memory_space<semaphore_mem>>
    %dma_wait3A_232 = tpu.memref_squeeze %dma_wait3A_231 : memref<1x!tpu.dma_semaphore, #tpu.memory_space<semaphore_mem>> -> memref<!tpu.dma_semaphore, #tpu.memory_space<semaphore_mem>>
    %dma_wait3A_233 = arith.constant 0 : i32
    %dma_wait3A_234 = tpu.memref_slice %arg3[%add3A_222, %dma_wait3A_233] : memref<3072x2048xf32, #tpu.memory_space<hbm>> -> memref<16x2048xf32, #tpu.memory_space<hbm>>
    %dma_wait3A_235 = arith.constant 0 : i32
    %dma_wait3A_236 = arith.constant 0 : i32
    %dma_wait3A_237 = tpu.memref_slice %arg4[%dma_wait3A_223, %dma_wait3A_235, %dma_wait3A_236] : memref<2x16x2048xf32, #tpu.memory_space<vmem>> -> memref<1x16x2048xf32, #tpu.memory_space<vmem>>
    %dma_wait3A_238 = tpu.memref_squeeze %dma_wait3A_237 : memref<1x16x2048xf32, #tpu.memory_space<vmem>> -> memref<16x2048xf32, #tpu.memory_space<vmem>>
    tpu.wait_dma2 semaphore(%dma_wait3A_232 : memref<!tpu.dma_semaphore, #tpu.memory_space<semaphore_mem>>) src(%dma_wait3A_238 : memref<16x2048xf32, #tpu.memory_space<vmem>>) dst(%dma_wait3A_234 : memref<16x2048xf32, #tpu.memory_space<hbm>>)
    %add3A_239 = arith.constant 64 : i32
    %add3A_240 = arith.addi %add3A_4, %add3A_239 : i32
    %dma_start3A_241 = arith.constant 0 : i32
    %dma_start3A_242 = arith.constant 0 : i32
    %dma_start3A_243 = arith.constant 0 : i32
    %dma_start3A_244 = arith.constant 0 : i32
    %dma_start3A_245 = tpu.memref_slice %arg4[%dma_start3A_241, %dma_start3A_243, %dma_start3A_244] : memref<2x16x2048xf32, #tpu.memory_space<vmem>> -> memref<1x16x2048xf32, #tpu.memory_space<vmem>>
    %dma_start3A_246 = tpu.memref_squeeze %dma_start3A_245 : memref<1x16x2048xf32, #tpu.memory_space<vmem>> -> memref<16x2048xf32, #tpu.memory_space<vmem>>
    %dma_start3A_247 = arith.constant 0 : i32
    %dma_start3A_248 = tpu.memref_slice %arg2[%add3A_240, %dma_start3A_247] : memref<8192x2048xf32, #tpu.memory_space<hbm>> -> memref<16x2048xf32, #tpu.memory_space<hbm>>
    %dma_start3A_249 = tpu.memref_slice %arg5[%dma_start3A_242] : memref<2x!tpu.dma_semaphore, #tpu.memory_space<semaphore_mem>> -> memref<1x!tpu.dma_semaphore, #tpu.memory_space<semaphore_mem>>
    %dma_start3A_250 = tpu.memref_squeeze %dma_start3A_249 : memref<1x!tpu.dma_semaphore, #tpu.memory_space<semaphore_mem>> -> memref<!tpu.dma_semaphore, #tpu.memory_space<semaphore_mem>>
    %dma_start3A_251 = arith.constant 0 : i32
    %dma_start3A_252 = arith.constant 0 : i32
    %dma_start3A_253 = tpu.memref_slice %arg4[%dma_start3A_241, %dma_start3A_251, %dma_start3A_252] : memref<2x16x2048xf32, #tpu.memory_space<vmem>> -> memref<1x16x2048xf32, #tpu.memory_space<vmem>>
    %dma_start3A_254 = tpu.memref_squeeze %dma_start3A_253 : memref<1x16x2048xf32, #tpu.memory_space<vmem>> -> memref<16x2048xf32, #tpu.memory_space<vmem>>
    %dma_start3A_255 = arith.constant 0 : i32
    %dma_start3A_256 = tpu.memref_slice %arg2[%add3A_240, %dma_start3A_255] : memref<8192x2048xf32, #tpu.memory_space<hbm>> -> memref<16x2048xf32, #tpu.memory_space<hbm>>
    tpu.enqueue_dma source(%dma_start3A_256 : memref<16x2048xf32, #tpu.memory_space<hbm>>) target(%dma_start3A_254 : memref<16x2048xf32, #tpu.memory_space<vmem>>) target_semaphore(%dma_start3A_250 : memref<!tpu.dma_semaphore, #tpu.memory_space<semaphore_mem>>)
    %add3A_257 = arith.constant 48 : i32
    %add3A_258 = arith.addi %add3A_4, %add3A_257 : i32
    %dma_wait3A_259 = arith.constant 1 : i32
    %dma_wait3A_260 = arith.constant 1 : i32
    %dma_wait3A_261 = arith.constant 0 : i32
    %dma_wait3A_262 = arith.constant 0 : i32
    %dma_wait3A_263 = tpu.memref_slice %arg4[%dma_wait3A_259, %dma_wait3A_261, %dma_wait3A_262] : memref<2x16x2048xf32, #tpu.memory_space<vmem>> -> memref<1x16x2048xf32, #tpu.memory_space<vmem>>
    %dma_wait3A_264 = tpu.memref_squeeze %dma_wait3A_263 : memref<1x16x2048xf32, #tpu.memory_space<vmem>> -> memref<16x2048xf32, #tpu.memory_space<vmem>>
    %dma_wait3A_265 = arith.constant 0 : i32
    %dma_wait3A_266 = tpu.memref_slice %arg2[%add3A_258, %dma_wait3A_265] : memref<8192x2048xf32, #tpu.memory_space<hbm>> -> memref<16x2048xf32, #tpu.memory_space<hbm>>
    %dma_wait3A_267 = tpu.memref_slice %arg5[%dma_wait3A_260] : memref<2x!tpu.dma_semaphore, #tpu.memory_space<semaphore_mem>> -> memref<1x!tpu.dma_semaphore, #tpu.memory_space<semaphore_mem>>
    %dma_wait3A_268 = tpu.memref_squeeze %dma_wait3A_267 : memref<1x!tpu.dma_semaphore, #tpu.memory_space<semaphore_mem>> -> memref<!tpu.dma_semaphore, #tpu.memory_space<semaphore_mem>>
    %dma_wait3A_269 = arith.constant 0 : i32
    %dma_wait3A_270 = arith.constant 0 : i32
    %dma_wait3A_271 = tpu.memref_slice %arg4[%dma_wait3A_259, %dma_wait3A_269, %dma_wait3A_270] : memref<2x16x2048xf32, #tpu.memory_space<vmem>> -> memref<1x16x2048xf32, #tpu.memory_space<vmem>>
    %dma_wait3A_272 = tpu.memref_squeeze %dma_wait3A_271 : memref<1x16x2048xf32, #tpu.memory_space<vmem>> -> memref<16x2048xf32, #tpu.memory_space<vmem>>
    %dma_wait3A_273 = arith.constant 0 : i32
    %dma_wait3A_274 = tpu.memref_slice %arg2[%add3A_258, %dma_wait3A_273] : memref<8192x2048xf32, #tpu.memory_space<hbm>> -> memref<16x2048xf32, #tpu.memory_space<hbm>>
    tpu.wait_dma2 semaphore(%dma_wait3A_268 : memref<!tpu.dma_semaphore, #tpu.memory_space<semaphore_mem>>) src(%dma_wait3A_274 : memref<16x2048xf32, #tpu.memory_space<hbm>>) dst(%dma_wait3A_272 : memref<16x2048xf32, #tpu.memory_space<vmem>>)
    %add3A_275 = arith.constant 48 : i32
    %add3A_276 = arith.addi %mul3A_6, %add3A_275 : i32
    %dma_start3A_277 = arith.constant 1 : i32
    %dma_start3A_278 = arith.constant 1 : i32
    %dma_start3A_279 = arith.constant 0 : i32
    %dma_start3A_280 = arith.constant 0 : i32
    %dma_start3A_281 = tpu.memref_slice %arg4[%dma_start3A_277, %dma_start3A_279, %dma_start3A_280] : memref<2x16x2048xf32, #tpu.memory_space<vmem>> -> memref<1x16x2048xf32, #tpu.memory_space<vmem>>
    %dma_start3A_282 = tpu.memref_squeeze %dma_start3A_281 : memref<1x16x2048xf32, #tpu.memory_space<vmem>> -> memref<16x2048xf32, #tpu.memory_space<vmem>>
    %dma_start3A_283 = arith.constant 0 : i32
    %dma_start3A_284 = tpu.memref_slice %arg3[%add3A_276, %dma_start3A_283] : memref<3072x2048xf32, #tpu.memory_space<hbm>> -> memref<16x2048xf32, #tpu.memory_space<hbm>>
    %dma_start3A_285 = tpu.memref_slice %arg6[%dma_start3A_278] : memref<2x!tpu.dma_semaphore, #tpu.memory_space<semaphore_mem>> -> memref<1x!tpu.dma_semaphore, #tpu.memory_space<semaphore_mem>>
    %dma_start3A_286 = tpu.memref_squeeze %dma_start3A_285 : memref<1x!tpu.dma_semaphore, #tpu.memory_space<semaphore_mem>> -> memref<!tpu.dma_semaphore, #tpu.memory_space<semaphore_mem>>
    %dma_start3A_287 = arith.constant 0 : i32
    %dma_start3A_288 = tpu.memref_slice %arg3[%add3A_276, %dma_start3A_287] : memref<3072x2048xf32, #tpu.memory_space<hbm>> -> memref<16x2048xf32, #tpu.memory_space<hbm>>
    %dma_start3A_289 = arith.constant 0 : i32
    %dma_start3A_290 = arith.constant 0 : i32
    %dma_start3A_291 = tpu.memref_slice %arg4[%dma_start3A_277, %dma_start3A_289, %dma_start3A_290] : memref<2x16x2048xf32, #tpu.memory_space<vmem>> -> memref<1x16x2048xf32, #tpu.memory_space<vmem>>
    %dma_start3A_292 = tpu.memref_squeeze %dma_start3A_291 : memref<1x16x2048xf32, #tpu.memory_space<vmem>> -> memref<16x2048xf32, #tpu.memory_space<vmem>>
    tpu.enqueue_dma source(%dma_start3A_292 : memref<16x2048xf32, #tpu.memory_space<vmem>>) target(%dma_start3A_288 : memref<16x2048xf32, #tpu.memory_space<hbm>>) target_semaphore(%dma_start3A_286 : memref<!tpu.dma_semaphore, #tpu.memory_space<semaphore_mem>>)
    %add3A_293 = arith.constant 48 : i32
    %add3A_294 = arith.addi %mul3A_6, %add3A_293 : i32
    %dma_wait3A_295 = arith.constant 1 : i32
    %dma_wait3A_296 = arith.constant 1 : i32
    %dma_wait3A_297 = arith.constant 0 : i32
    %dma_wait3A_298 = arith.constant 0 : i32
    %dma_wait3A_299 = tpu.memref_slice %arg4[%dma_wait3A_295, %dma_wait3A_297, %dma_wait3A_298] : memref<2x16x2048xf32, #tpu.memory_space<vmem>> -> memref<1x16x2048xf32, #tpu.memory_space<vmem>>
    %dma_wait3A_300 = tpu.memref_squeeze %dma_wait3A_299 : memref<1x16x2048xf32, #tpu.memory_space<vmem>> -> memref<16x2048xf32, #tpu.memory_space<vmem>>
    %dma_wait3A_301 = arith.constant 0 : i32
    %dma_wait3A_302 = tpu.memref_slice %arg3[%add3A_294, %dma_wait3A_301] : memref<3072x2048xf32, #tpu.memory_space<hbm>> -> memref<16x2048xf32, #tpu.memory_space<hbm>>
    %dma_wait3A_303 = tpu.memref_slice %arg6[%dma_wait3A_296] : memref<2x!tpu.dma_semaphore, #tpu.memory_space<semaphore_mem>> -> memref<1x!tpu.dma_semaphore, #tpu.memory_space<semaphore_mem>>
    %dma_wait3A_304 = tpu.memref_squeeze %dma_wait3A_303 : memref<1x!tpu.dma_semaphore, #tpu.memory_space<semaphore_mem>> -> memref<!tpu.dma_semaphore, #tpu.memory_space<semaphore_mem>>
    %dma_wait3A_305 = arith.constant 0 : i32
    %dma_wait3A_306 = tpu.memref_slice %arg3[%add3A_294, %dma_wait3A_305] : memref<3072x2048xf32, #tpu.memory_space<hbm>> -> memref<16x2048xf32, #tpu.memory_space<hbm>>
    %dma_wait3A_307 = arith.constant 0 : i32
    %dma_wait3A_308 = arith.constant 0 : i32
    %dma_wait3A_309 = tpu.memref_slice %arg4[%dma_wait3A_295, %dma_wait3A_307, %dma_wait3A_308] : memref<2x16x2048xf32, #tpu.memory_space<vmem>> -> memref<1x16x2048xf32, #tpu.memory_space<vmem>>
    %dma_wait3A_310 = tpu.memref_squeeze %dma_wait3A_309 : memref<1x16x2048xf32, #tpu.memory_space<vmem>> -> memref<16x2048xf32, #tpu.memory_space<vmem>>
    tpu.wait_dma2 semaphore(%dma_wait3A_304 : memref<!tpu.dma_semaphore, #tpu.memory_space<semaphore_mem>>) src(%dma_wait3A_310 : memref<16x2048xf32, #tpu.memory_space<vmem>>) dst(%dma_wait3A_306 : memref<16x2048xf32, #tpu.memory_space<hbm>>)
    %add3A_311 = arith.constant 80 : i32
    %add3A_312 = arith.addi %add3A_4, %add3A_311 : i32
    %dma_start3A_313 = arith.constant 1 : i32
    %dma_start3A_314 = arith.constant 1 : i32
    %dma_start3A_315 = arith.constant 0 : i32
    %dma_start3A_316 = arith.constant 0 : i32
    %dma_start3A_317 = tpu.memref_slice %arg4[%dma_start3A_313, %dma_start3A_315, %dma_start3A_316] : memref<2x16x2048xf32, #tpu.memory_space<vmem>> -> memref<1x16x2048xf32, #tpu.memory_space<vmem>>
    %dma_start3A_318 = tpu.memref_squeeze %dma_start3A_317 : memref<1x16x2048xf32, #tpu.memory_space<vmem>> -> memref<16x2048xf32, #tpu.memory_space<vmem>>
    %dma_start3A_319 = arith.constant 0 : i32
    %dma_start3A_320 = tpu.memref_slice %arg2[%add3A_312, %dma_start3A_319] : memref<8192x2048xf32, #tpu.memory_space<hbm>> -> memref<16x2048xf32, #tpu.memory_space<hbm>>
    %dma_start3A_321 = tpu.memref_slice %arg5[%dma_start3A_314] : memref<2x!tpu.dma_semaphore, #tpu.memory_space<semaphore_mem>> -> memref<1x!tpu.dma_semaphore, #tpu.memory_space<semaphore_mem>>
    %dma_start3A_322 = tpu.memref_squeeze %dma_start3A_321 : memref<1x!tpu.dma_semaphore, #tpu.memory_space<semaphore_mem>> -> memref<!tpu.dma_semaphore, #tpu.memory_space<semaphore_mem>>
    %dma_start3A_323 = arith.constant 0 : i32
    %dma_start3A_324 = arith.constant 0 : i32
    %dma_start3A_325 = tpu.memref_slice %arg4[%dma_start3A_313, %dma_start3A_323, %dma_start3A_324] : memref<2x16x2048xf32, #tpu.memory_space<vmem>> -> memref<1x16x2048xf32, #tpu.memory_space<vmem>>
    %dma_start3A_326 = tpu.memref_squeeze %dma_start3A_325 : memref<1x16x2048xf32, #tpu.memory_space<vmem>> -> memref<16x2048xf32, #tpu.memory_space<vmem>>
    %dma_start3A_327 = arith.constant 0 : i32
    %dma_start3A_328 = tpu.memref_slice %arg2[%add3A_312, %dma_start3A_327] : memref<8192x2048xf32, #tpu.memory_space<hbm>> -> memref<16x2048xf32, #tpu.memory_space<hbm>>
    tpu.enqueue_dma source(%dma_start3A_328 : memref<16x2048xf32, #tpu.memory_space<hbm>>) target(%dma_start3A_326 : memref<16x2048xf32, #tpu.memory_space<vmem>>) target_semaphore(%dma_start3A_322 : memref<!tpu.dma_semaphore, #tpu.memory_space<semaphore_mem>>)
    %add3A_329 = arith.constant 64 : i32
    %add3A_330 = arith.addi %add3A_4, %add3A_329 : i32
    %dma_wait3A_331 = arith.constant 0 : i32
    %dma_wait3A_332 = arith.constant 0 : i32
    %dma_wait3A_333 = arith.constant 0 : i32
    %dma_wait3A_334 = arith.constant 0 : i32
    %dma_wait3A_335 = tpu.memref_slice %arg4[%dma_wait3A_331, %dma_wait3A_333, %dma_wait3A_334] : memref<2x16x2048xf32, #tpu.memory_space<vmem>> -> memref<1x16x2048xf32, #tpu.memory_space<vmem>>
    %dma_wait3A_336 = tpu.memref_squeeze %dma_wait3A_335 : memref<1x16x2048xf32, #tpu.memory_space<vmem>> -> memref<16x2048xf32, #tpu.memory_space<vmem>>
    %dma_wait3A_337 = arith.constant 0 : i32
    %dma_wait3A_338 = tpu.memref_slice %arg2[%add3A_330, %dma_wait3A_337] : memref<8192x2048xf32, #tpu.memory_space<hbm>> -> memref<16x2048xf32, #tpu.memory_space<hbm>>
    %dma_wait3A_339 = tpu.memref_slice %arg5[%dma_wait3A_332] : memref<2x!tpu.dma_semaphore, #tpu.memory_space<semaphore_mem>> -> memref<1x!tpu.dma_semaphore, #tpu.memory_space<semaphore_mem>>
    %dma_wait3A_340 = tpu.memref_squeeze %dma_wait3A_339 : memref<1x!tpu.dma_semaphore, #tpu.memory_space<semaphore_mem>> -> memref<!tpu.dma_semaphore, #tpu.memory_space<semaphore_mem>>
    %dma_wait3A_341 = arith.constant 0 : i32
    %dma_wait3A_342 = arith.constant 0 : i32
    %dma_wait3A_343 = tpu.memref_slice %arg4[%dma_wait3A_331, %dma_wait3A_341, %dma_wait3A_342] : memref<2x16x2048xf32, #tpu.memory_space<vmem>> -> memref<1x16x2048xf32, #tpu.memory_space<vmem>>
    %dma_wait3A_344 = tpu.memref_squeeze %dma_wait3A_343 : memref<1x16x2048xf32, #tpu.memory_space<vmem>> -> memref<16x2048xf32, #tpu.memory_space<vmem>>
    %dma_wait3A_345 = arith.constant 0 : i32
    %dma_wait3A_346 = tpu.memref_slice %arg2[%add3A_330, %dma_wait3A_345] : memref<8192x2048xf32, #tpu.memory_space<hbm>> -> memref<16x2048xf32, #tpu.memory_space<hbm>>
    tpu.wait_dma2 semaphore(%dma_wait3A_340 : memref<!tpu.dma_semaphore, #tpu.memory_space<semaphore_mem>>) src(%dma_wait3A_346 : memref<16x2048xf32, #tpu.memory_space<hbm>>) dst(%dma_wait3A_344 : memref<16x2048xf32, #tpu.memory_space<vmem>>)
    %add3A_347 = arith.constant 64 : i32
    %add3A_348 = arith.addi %mul3A_6, %add3A_347 : i32
    %dma_start3A_349 = arith.constant 0 : i32
    %dma_start3A_350 = arith.constant 0 : i32
    %dma_start3A_351 = arith.constant 0 : i32
    %dma_start3A_352 = arith.constant 0 : i32
    %dma_start3A_353 = tpu.memref_slice %arg4[%dma_start3A_349, %dma_start3A_351, %dma_start3A_352] : memref<2x16x2048xf32, #tpu.memory_space<vmem>> -> memref<1x16x2048xf32, #tpu.memory_space<vmem>>
    %dma_start3A_354 = tpu.memref_squeeze %dma_start3A_353 : memref<1x16x2048xf32, #tpu.memory_space<vmem>> -> memref<16x2048xf32, #tpu.memory_space<vmem>>
    %dma_start3A_355 = arith.constant 0 : i32
    %dma_start3A_356 = tpu.memref_slice %arg3[%add3A_348, %dma_start3A_355] : memref<3072x2048xf32, #tpu.memory_space<hbm>> -> memref<16x2048xf32, #tpu.memory_space<hbm>>
    %dma_start3A_357 = tpu.memref_slice %arg6[%dma_start3A_350] : memref<2x!tpu.dma_semaphore, #tpu.memory_space<semaphore_mem>> -> memref<1x!tpu.dma_semaphore, #tpu.memory_space<semaphore_mem>>
    %dma_start3A_358 = tpu.memref_squeeze %dma_start3A_357 : memref<1x!tpu.dma_semaphore, #tpu.memory_space<semaphore_mem>> -> memref<!tpu.dma_semaphore, #tpu.memory_space<semaphore_mem>>
    %dma_start3A_359 = arith.constant 0 : i32
    %dma_start3A_360 = tpu.memref_slice %arg3[%add3A_348, %dma_start3A_359] : memref<3072x2048xf32, #tpu.memory_space<hbm>> -> memref<16x2048xf32, #tpu.memory_space<hbm>>
    %dma_start3A_361 = arith.constant 0 : i32
    %dma_start3A_362 = arith.constant 0 : i32
    %dma_start3A_363 = tpu.memref_slice %arg4[%dma_start3A_349, %dma_start3A_361, %dma_start3A_362] : memref<2x16x2048xf32, #tpu.memory_space<vmem>> -> memref<1x16x2048xf32, #tpu.memory_space<vmem>>
    %dma_start3A_364 = tpu.memref_squeeze %dma_start3A_363 : memref<1x16x2048xf32, #tpu.memory_space<vmem>> -> memref<16x2048xf32, #tpu.memory_space<vmem>>
    tpu.enqueue_dma source(%dma_start3A_364 : memref<16x2048xf32, #tpu.memory_space<vmem>>) target(%dma_start3A_360 : memref<16x2048xf32, #tpu.memory_space<hbm>>) target_semaphore(%dma_start3A_358 : memref<!tpu.dma_semaphore, #tpu.memory_space<semaphore_mem>>)
    %add3A_365 = arith.constant 80 : i32
    %add3A_366 = arith.addi %add3A_4, %add3A_365 : i32
    %dma_wait3A_367 = arith.constant 1 : i32
    %dma_wait3A_368 = arith.constant 1 : i32
    %dma_wait3A_369 = arith.constant 0 : i32
    %dma_wait3A_370 = arith.constant 0 : i32
    %dma_wait3A_371 = tpu.memref_slice %arg4[%dma_wait3A_367, %dma_wait3A_369, %dma_wait3A_370] : memref<2x16x2048xf32, #tpu.memory_space<vmem>> -> memref<1x16x2048xf32, #tpu.memory_space<vmem>>
    %dma_wait3A_372 = tpu.memref_squeeze %dma_wait3A_371 : memref<1x16x2048xf32, #tpu.memory_space<vmem>> -> memref<16x2048xf32, #tpu.memory_space<vmem>>
    %dma_wait3A_373 = arith.constant 0 : i32
    %dma_wait3A_374 = tpu.memref_slice %arg2[%add3A_366, %dma_wait3A_373] : memref<8192x2048xf32, #tpu.memory_space<hbm>> -> memref<16x2048xf32, #tpu.memory_space<hbm>>
    %dma_wait3A_375 = tpu.memref_slice %arg5[%dma_wait3A_368] : memref<2x!tpu.dma_semaphore, #tpu.memory_space<semaphore_mem>> -> memref<1x!tpu.dma_semaphore, #tpu.memory_space<semaphore_mem>>
    %dma_wait3A_376 = tpu.memref_squeeze %dma_wait3A_375 : memref<1x!tpu.dma_semaphore, #tpu.memory_space<semaphore_mem>> -> memref<!tpu.dma_semaphore, #tpu.memory_space<semaphore_mem>>
    %dma_wait3A_377 = arith.constant 0 : i32
    %dma_wait3A_378 = arith.constant 0 : i32
    %dma_wait3A_379 = tpu.memref_slice %arg4[%dma_wait3A_367, %dma_wait3A_377, %dma_wait3A_378] : memref<2x16x2048xf32, #tpu.memory_space<vmem>> -> memref<1x16x2048xf32, #tpu.memory_space<vmem>>
    %dma_wait3A_380 = tpu.memref_squeeze %dma_wait3A_379 : memref<1x16x2048xf32, #tpu.memory_space<vmem>> -> memref<16x2048xf32, #tpu.memory_space<vmem>>
    %dma_wait3A_381 = arith.constant 0 : i32
    %dma_wait3A_382 = tpu.memref_slice %arg2[%add3A_366, %dma_wait3A_381] : memref<8192x2048xf32, #tpu.memory_space<hbm>> -> memref<16x2048xf32, #tpu.memory_space<hbm>>
    tpu.wait_dma2 semaphore(%dma_wait3A_376 : memref<!tpu.dma_semaphore, #tpu.memory_space<semaphore_mem>>) src(%dma_wait3A_382 : memref<16x2048xf32, #tpu.memory_space<hbm>>) dst(%dma_wait3A_380 : memref<16x2048xf32, #tpu.memory_space<vmem>>)
    %add3A_383 = arith.constant 80 : i32
    %add3A_384 = arith.addi %mul3A_6, %add3A_383 : i32
    %dma_start3A_385 = arith.constant 1 : i32
    %dma_start3A_386 = arith.constant 1 : i32
    %dma_start3A_387 = arith.constant 0 : i32
    %dma_start3A_388 = arith.constant 0 : i32
    %dma_start3A_389 = tpu.memref_slice %arg4[%dma_start3A_385, %dma_start3A_387, %dma_start3A_388] : memref<2x16x2048xf32, #tpu.memory_space<vmem>> -> memref<1x16x2048xf32, #tpu.memory_space<vmem>>
    %dma_start3A_390 = tpu.memref_squeeze %dma_start3A_389 : memref<1x16x2048xf32, #tpu.memory_space<vmem>> -> memref<16x2048xf32, #tpu.memory_space<vmem>>
    %dma_start3A_391 = arith.constant 0 : i32
    %dma_start3A_392 = tpu.memref_slice %arg3[%add3A_384, %dma_start3A_391] : memref<3072x2048xf32, #tpu.memory_space<hbm>> -> memref<16x2048xf32, #tpu.memory_space<hbm>>
    %dma_start3A_393 = tpu.memref_slice %arg6[%dma_start3A_386] : memref<2x!tpu.dma_semaphore, #tpu.memory_space<semaphore_mem>> -> memref<1x!tpu.dma_semaphore, #tpu.memory_space<semaphore_mem>>
    %dma_start3A_394 = tpu.memref_squeeze %dma_start3A_393 : memref<1x!tpu.dma_semaphore, #tpu.memory_space<semaphore_mem>> -> memref<!tpu.dma_semaphore, #tpu.memory_space<semaphore_mem>>
    %dma_start3A_395 = arith.constant 0 : i32
    %dma_start3A_396 = tpu.memref_slice %arg3[%add3A_384, %dma_start3A_395] : memref<3072x2048xf32, #tpu.memory_space<hbm>> -> memref<16x2048xf32, #tpu.memory_space<hbm>>
    %dma_start3A_397 = arith.constant 0 : i32
    %dma_start3A_398 = arith.constant 0 : i32
    %dma_start3A_399 = tpu.memref_slice %arg4[%dma_start3A_385, %dma_start3A_397, %dma_start3A_398] : memref<2x16x2048xf32, #tpu.memory_space<vmem>> -> memref<1x16x2048xf32, #tpu.memory_space<vmem>>
    %dma_start3A_400 = tpu.memref_squeeze %dma_start3A_399 : memref<1x16x2048xf32, #tpu.memory_space<vmem>> -> memref<16x2048xf32, #tpu.memory_space<vmem>>
    tpu.enqueue_dma source(%dma_start3A_400 : memref<16x2048xf32, #tpu.memory_space<vmem>>) target(%dma_start3A_396 : memref<16x2048xf32, #tpu.memory_space<hbm>>) target_semaphore(%dma_start3A_394 : memref<!tpu.dma_semaphore, #tpu.memory_space<semaphore_mem>>)
    %add3A_401 = arith.constant 64 : i32
    %add3A_402 = arith.addi %mul3A_6, %add3A_401 : i32
    %dma_wait3A_403 = arith.constant 0 : i32
    %dma_wait3A_404 = arith.constant 0 : i32
    %dma_wait3A_405 = arith.constant 0 : i32
    %dma_wait3A_406 = arith.constant 0 : i32
    %dma_wait3A_407 = tpu.memref_slice %arg4[%dma_wait3A_403, %dma_wait3A_405, %dma_wait3A_406] : memref<2x16x2048xf32, #tpu.memory_space<vmem>> -> memref<1x16x2048xf32, #tpu.memory_space<vmem>>
    %dma_wait3A_408 = tpu.memref_squeeze %dma_wait3A_407 : memref<1x16x2048xf32, #tpu.memory_space<vmem>> -> memref<16x2048xf32, #tpu.memory_space<vmem>>
    %dma_wait3A_409 = arith.constant 0 : i32
    %dma_wait3A_410 = tpu.memref_slice %arg3[%add3A_402, %dma_wait3A_409] : memref<3072x2048xf32, #tpu.memory_space<hbm>> -> memref<16x2048xf32, #tpu.memory_space<hbm>>
    %dma_wait3A_411 = tpu.memref_slice %arg6[%dma_wait3A_404] : memref<2x!tpu.dma_semaphore, #tpu.memory_space<semaphore_mem>> -> memref<1x!tpu.dma_semaphore, #tpu.memory_space<semaphore_mem>>
    %dma_wait3A_412 = tpu.memref_squeeze %dma_wait3A_411 : memref<1x!tpu.dma_semaphore, #tpu.memory_space<semaphore_mem>> -> memref<!tpu.dma_semaphore, #tpu.memory_space<semaphore_mem>>
    %dma_wait3A_413 = arith.constant 0 : i32
    %dma_wait3A_414 = tpu.memref_slice %arg3[%add3A_402, %dma_wait3A_413] : memref<3072x2048xf32, #tpu.memory_space<hbm>> -> memref<16x2048xf32, #tpu.memory_space<hbm>>
    %dma_wait3A_415 = arith.constant 0 : i32
    %dma_wait3A_416 = arith.constant 0 : i32
    %dma_wait3A_417 = tpu.memref_slice %arg4[%dma_wait3A_403, %dma_wait3A_415, %dma_wait3A_416] : memref<2x16x2048xf32, #tpu.memory_space<vmem>> -> memref<1x16x2048xf32, #tpu.memory_space<vmem>>
    %dma_wait3A_418 = tpu.memref_squeeze %dma_wait3A_417 : memref<1x16x2048xf32, #tpu.memory_space<vmem>> -> memref<16x2048xf32, #tpu.memory_space<vmem>>
    tpu.wait_dma2 semaphore(%dma_wait3A_412 : memref<!tpu.dma_semaphore, #tpu.memory_space<semaphore_mem>>) src(%dma_wait3A_418 : memref<16x2048xf32, #tpu.memory_space<vmem>>) dst(%dma_wait3A_414 : memref<16x2048xf32, #tpu.memory_space<hbm>>)
    %add3A_419 = arith.constant 80 : i32
    %add3A_420 = arith.addi %mul3A_6, %add3A_419 : i32
    %dma_wait3A_421 = arith.constant 1 : i32
    %dma_wait3A_422 = arith.constant 1 : i32
    %dma_wait3A_423 = arith.constant 0 : i32
    %dma_wait3A_424 = arith.constant 0 : i32
    %dma_wait3A_425 = tpu.memref_slice %arg4[%dma_wait3A_421, %dma_wait3A_423, %dma_wait3A_424] : memref<2x16x2048xf32, #tpu.memory_space<vmem>> -> memref<1x16x2048xf32, #tpu.memory_space<vmem>>
    %dma_wait3A_426 = tpu.memref_squeeze %dma_wait3A_425 : memref<1x16x2048xf32, #tpu.memory_space<vmem>> -> memref<16x2048xf32, #tpu.memory_space<vmem>>
    %dma_wait3A_427 = arith.constant 0 : i32
    %dma_wait3A_428 = tpu.memref_slice %arg3[%add3A_420, %dma_wait3A_427] : memref<3072x2048xf32, #tpu.memory_space<hbm>> -> memref<16x2048xf32, #tpu.memory_space<hbm>>
    %dma_wait3A_429 = tpu.memref_slice %arg6[%dma_wait3A_422] : memref<2x!tpu.dma_semaphore, #tpu.memory_space<semaphore_mem>> -> memref<1x!tpu.dma_semaphore, #tpu.memory_space<semaphore_mem>>
    %dma_wait3A_430 = tpu.memref_squeeze %dma_wait3A_429 : memref<1x!tpu.dma_semaphore, #tpu.memory_space<semaphore_mem>> -> memref<!tpu.dma_semaphore, #tpu.memory_space<semaphore_mem>>
    %dma_wait3A_431 = arith.constant 0 : i32
    %dma_wait3A_432 = tpu.memref_slice %arg3[%add3A_420, %dma_wait3A_431] : memref<3072x2048xf32, #tpu.memory_space<hbm>> -> memref<16x2048xf32, #tpu.memory_space<hbm>>
    %dma_wait3A_433 = arith.constant 0 : i32
    %dma_wait3A_434 = arith.constant 0 : i32
    %dma_wait3A_435 = tpu.memref_slice %arg4[%dma_wait3A_421, %dma_wait3A_433, %dma_wait3A_434] : memref<2x16x2048xf32, #tpu.memory_space<vmem>> -> memref<1x16x2048xf32, #tpu.memory_space<vmem>>
    %dma_wait3A_436 = tpu.memref_squeeze %dma_wait3A_435 : memref<1x16x2048xf32, #tpu.memory_space<vmem>> -> memref<16x2048xf32, #tpu.memory_space<vmem>>
    tpu.wait_dma2 semaphore(%dma_wait3A_430 : memref<!tpu.dma_semaphore, #tpu.memory_space<semaphore_mem>>) src(%dma_wait3A_436 : memref<16x2048xf32, #tpu.memory_space<vmem>>) dst(%dma_wait3A_432 : memref<16x2048xf32, #tpu.memory_space<hbm>>)
    return
  }
}

module attributes {stable_mosaic.version = 14 : i64} {
  func.func @_dma_pipeline(%arg0: memref<8192x2048xf32, #tpu.memory_space<any>>, %arg1: memref<5120x2048xf32, #tpu.memory_space<any>>, %arg2: memref<16x256x2048xf32, #tpu.memory_space<vmem>>, %arg3: memref<16x!tpu.dma_semaphore, #tpu.memory_space<semaphore_mem>>, %arg4: memref<16x!tpu.dma_semaphore, #tpu.memory_space<semaphore_mem>>) attributes {dimension_semantics = [], scalar_prefetch = 0 : i64, scratch_operands = 3 : i64, tpu.core_type = #tpu.core_type<tc>} {
    %dma_start3A = arith.constant 0 : i32
    %dma_start3A_0 = arith.constant 0 : i32
    %dma_start3A_1 = tpu.memref_slice %arg3[%dma_start3A_0] : memref<16x!tpu.dma_semaphore, #tpu.memory_space<semaphore_mem>> -> memref<1x!tpu.dma_semaphore, #tpu.memory_space<semaphore_mem>>
    %dma_start3A_2 = tpu.memref_squeeze %dma_start3A_1 : memref<1x!tpu.dma_semaphore, #tpu.memory_space<semaphore_mem>> -> memref<!tpu.dma_semaphore, #tpu.memory_space<semaphore_mem>>
    %dma_start3A_3 = arith.constant 0 : i32
    %dma_start3A_4 = arith.constant 0 : i32
    %dma_start3A_5 = tpu.memref_slice %arg2[%dma_start3A, %dma_start3A_3, %dma_start3A_4] : memref<16x256x2048xf32, #tpu.memory_space<vmem>> -> memref<1x256x2048xf32, #tpu.memory_space<vmem>>
    %dma_start3A_6 = tpu.memref_squeeze %dma_start3A_5 : memref<1x256x2048xf32, #tpu.memory_space<vmem>> -> memref<256x2048xf32, #tpu.memory_space<vmem>>
    %dma_start3A_7 = arith.constant 0 : i32
    %dma_start3A_8 = arith.constant 0 : i32
    %dma_start3A_9 = tpu.memref_slice %arg0[%dma_start3A_7, %dma_start3A_8] : memref<8192x2048xf32, #tpu.memory_space<any>> -> memref<256x2048xf32, #tpu.memory_space<any>>
    tpu.enqueue_dma source(%dma_start3A_9 : memref<256x2048xf32, #tpu.memory_space<any>>) target(%dma_start3A_6 : memref<256x2048xf32, #tpu.memory_space<vmem>>) target_semaphore(%dma_start3A_2 : memref<!tpu.dma_semaphore, #tpu.memory_space<semaphore_mem>>)
    %dma_start3A_10 = arith.constant 1 : i32
    %dma_start3A_11 = arith.constant 1 : i32
    %dma_start3A_12 = tpu.memref_slice %arg3[%dma_start3A_11] : memref<16x!tpu.dma_semaphore, #tpu.memory_space<semaphore_mem>> -> memref<1x!tpu.dma_semaphore, #tpu.memory_space<semaphore_mem>>
    %dma_start3A_13 = tpu.memref_squeeze %dma_start3A_12 : memref<1x!tpu.dma_semaphore, #tpu.memory_space<semaphore_mem>> -> memref<!tpu.dma_semaphore, #tpu.memory_space<semaphore_mem>>
    %dma_start3A_14 = arith.constant 0 : i32
    %dma_start3A_15 = arith.constant 0 : i32
    %dma_start3A_16 = tpu.memref_slice %arg2[%dma_start3A_10, %dma_start3A_14, %dma_start3A_15] : memref<16x256x2048xf32, #tpu.memory_space<vmem>> -> memref<1x256x2048xf32, #tpu.memory_space<vmem>>
    %dma_start3A_17 = tpu.memref_squeeze %dma_start3A_16 : memref<1x256x2048xf32, #tpu.memory_space<vmem>> -> memref<256x2048xf32, #tpu.memory_space<vmem>>
    %dma_start3A_18 = arith.constant 256 : i32
    %dma_start3A_19 = arith.constant 0 : i32
    %dma_start3A_20 = tpu.memref_slice %arg0[%dma_start3A_18, %dma_start3A_19] : memref<8192x2048xf32, #tpu.memory_space<any>> -> memref<256x2048xf32, #tpu.memory_space<any>>
    tpu.enqueue_dma source(%dma_start3A_20 : memref<256x2048xf32, #tpu.memory_space<any>>) target(%dma_start3A_17 : memref<256x2048xf32, #tpu.memory_space<vmem>>) target_semaphore(%dma_start3A_13 : memref<!tpu.dma_semaphore, #tpu.memory_space<semaphore_mem>>)
    %dma_start3A_21 = arith.constant 2 : i32
    %dma_start3A_22 = arith.constant 2 : i32
    %dma_start3A_23 = tpu.memref_slice %arg3[%dma_start3A_22] : memref<16x!tpu.dma_semaphore, #tpu.memory_space<semaphore_mem>> -> memref<1x!tpu.dma_semaphore, #tpu.memory_space<semaphore_mem>>
    %dma_start3A_24 = tpu.memref_squeeze %dma_start3A_23 : memref<1x!tpu.dma_semaphore, #tpu.memory_space<semaphore_mem>> -> memref<!tpu.dma_semaphore, #tpu.memory_space<semaphore_mem>>
    %dma_start3A_25 = arith.constant 0 : i32
    %dma_start3A_26 = arith.constant 0 : i32
    %dma_start3A_27 = tpu.memref_slice %arg2[%dma_start3A_21, %dma_start3A_25, %dma_start3A_26] : memref<16x256x2048xf32, #tpu.memory_space<vmem>> -> memref<1x256x2048xf32, #tpu.memory_space<vmem>>
    %dma_start3A_28 = tpu.memref_squeeze %dma_start3A_27 : memref<1x256x2048xf32, #tpu.memory_space<vmem>> -> memref<256x2048xf32, #tpu.memory_space<vmem>>
    %dma_start3A_29 = arith.constant 512 : i32
    %dma_start3A_30 = arith.constant 0 : i32
    %dma_start3A_31 = tpu.memref_slice %arg0[%dma_start3A_29, %dma_start3A_30] : memref<8192x2048xf32, #tpu.memory_space<any>> -> memref<256x2048xf32, #tpu.memory_space<any>>
    tpu.enqueue_dma source(%dma_start3A_31 : memref<256x2048xf32, #tpu.memory_space<any>>) target(%dma_start3A_28 : memref<256x2048xf32, #tpu.memory_space<vmem>>) target_semaphore(%dma_start3A_24 : memref<!tpu.dma_semaphore, #tpu.memory_space<semaphore_mem>>)
    %dma_start3A_32 = arith.constant 3 : i32
    %dma_start3A_33 = arith.constant 3 : i32
    %dma_start3A_34 = tpu.memref_slice %arg3[%dma_start3A_33] : memref<16x!tpu.dma_semaphore, #tpu.memory_space<semaphore_mem>> -> memref<1x!tpu.dma_semaphore, #tpu.memory_space<semaphore_mem>>
    %dma_start3A_35 = tpu.memref_squeeze %dma_start3A_34 : memref<1x!tpu.dma_semaphore, #tpu.memory_space<semaphore_mem>> -> memref<!tpu.dma_semaphore, #tpu.memory_space<semaphore_mem>>
    %dma_start3A_36 = arith.constant 0 : i32
    %dma_start3A_37 = arith.constant 0 : i32
    %dma_start3A_38 = tpu.memref_slice %arg2[%dma_start3A_32, %dma_start3A_36, %dma_start3A_37] : memref<16x256x2048xf32, #tpu.memory_space<vmem>> -> memref<1x256x2048xf32, #tpu.memory_space<vmem>>
    %dma_start3A_39 = tpu.memref_squeeze %dma_start3A_38 : memref<1x256x2048xf32, #tpu.memory_space<vmem>> -> memref<256x2048xf32, #tpu.memory_space<vmem>>
    %dma_start3A_40 = arith.constant 768 : i32
    %dma_start3A_41 = arith.constant 0 : i32
    %dma_start3A_42 = tpu.memref_slice %arg0[%dma_start3A_40, %dma_start3A_41] : memref<8192x2048xf32, #tpu.memory_space<any>> -> memref<256x2048xf32, #tpu.memory_space<any>>
    tpu.enqueue_dma source(%dma_start3A_42 : memref<256x2048xf32, #tpu.memory_space<any>>) target(%dma_start3A_39 : memref<256x2048xf32, #tpu.memory_space<vmem>>) target_semaphore(%dma_start3A_35 : memref<!tpu.dma_semaphore, #tpu.memory_space<semaphore_mem>>)
    %dma_start3A_43 = arith.constant 4 : i32
    %dma_start3A_44 = arith.constant 4 : i32
    %dma_start3A_45 = tpu.memref_slice %arg3[%dma_start3A_44] : memref<16x!tpu.dma_semaphore, #tpu.memory_space<semaphore_mem>> -> memref<1x!tpu.dma_semaphore, #tpu.memory_space<semaphore_mem>>
    %dma_start3A_46 = tpu.memref_squeeze %dma_start3A_45 : memref<1x!tpu.dma_semaphore, #tpu.memory_space<semaphore_mem>> -> memref<!tpu.dma_semaphore, #tpu.memory_space<semaphore_mem>>
    %dma_start3A_47 = arith.constant 0 : i32
    %dma_start3A_48 = arith.constant 0 : i32
    %dma_start3A_49 = tpu.memref_slice %arg2[%dma_start3A_43, %dma_start3A_47, %dma_start3A_48] : memref<16x256x2048xf32, #tpu.memory_space<vmem>> -> memref<1x256x2048xf32, #tpu.memory_space<vmem>>
    %dma_start3A_50 = tpu.memref_squeeze %dma_start3A_49 : memref<1x256x2048xf32, #tpu.memory_space<vmem>> -> memref<256x2048xf32, #tpu.memory_space<vmem>>
    %dma_start3A_51 = arith.constant 1024 : i32
    %dma_start3A_52 = arith.constant 0 : i32
    %dma_start3A_53 = tpu.memref_slice %arg0[%dma_start3A_51, %dma_start3A_52] : memref<8192x2048xf32, #tpu.memory_space<any>> -> memref<256x2048xf32, #tpu.memory_space<any>>
    tpu.enqueue_dma source(%dma_start3A_53 : memref<256x2048xf32, #tpu.memory_space<any>>) target(%dma_start3A_50 : memref<256x2048xf32, #tpu.memory_space<vmem>>) target_semaphore(%dma_start3A_46 : memref<!tpu.dma_semaphore, #tpu.memory_space<semaphore_mem>>)
    %dma_start3A_54 = arith.constant 5 : i32
    %dma_start3A_55 = arith.constant 5 : i32
    %dma_start3A_56 = tpu.memref_slice %arg3[%dma_start3A_55] : memref<16x!tpu.dma_semaphore, #tpu.memory_space<semaphore_mem>> -> memref<1x!tpu.dma_semaphore, #tpu.memory_space<semaphore_mem>>
    %dma_start3A_57 = tpu.memref_squeeze %dma_start3A_56 : memref<1x!tpu.dma_semaphore, #tpu.memory_space<semaphore_mem>> -> memref<!tpu.dma_semaphore, #tpu.memory_space<semaphore_mem>>
    %dma_start3A_58 = arith.constant 0 : i32
    %dma_start3A_59 = arith.constant 0 : i32
    %dma_start3A_60 = tpu.memref_slice %arg2[%dma_start3A_54, %dma_start3A_58, %dma_start3A_59] : memref<16x256x2048xf32, #tpu.memory_space<vmem>> -> memref<1x256x2048xf32, #tpu.memory_space<vmem>>
    %dma_start3A_61 = tpu.memref_squeeze %dma_start3A_60 : memref<1x256x2048xf32, #tpu.memory_space<vmem>> -> memref<256x2048xf32, #tpu.memory_space<vmem>>
    %dma_start3A_62 = arith.constant 1280 : i32
    %dma_start3A_63 = arith.constant 0 : i32
    %dma_start3A_64 = tpu.memref_slice %arg0[%dma_start3A_62, %dma_start3A_63] : memref<8192x2048xf32, #tpu.memory_space<any>> -> memref<256x2048xf32, #tpu.memory_space<any>>
    tpu.enqueue_dma source(%dma_start3A_64 : memref<256x2048xf32, #tpu.memory_space<any>>) target(%dma_start3A_61 : memref<256x2048xf32, #tpu.memory_space<vmem>>) target_semaphore(%dma_start3A_57 : memref<!tpu.dma_semaphore, #tpu.memory_space<semaphore_mem>>)
    %dma_start3A_65 = arith.constant 6 : i32
    %dma_start3A_66 = arith.constant 6 : i32
    %dma_start3A_67 = tpu.memref_slice %arg3[%dma_start3A_66] : memref<16x!tpu.dma_semaphore, #tpu.memory_space<semaphore_mem>> -> memref<1x!tpu.dma_semaphore, #tpu.memory_space<semaphore_mem>>
    %dma_start3A_68 = tpu.memref_squeeze %dma_start3A_67 : memref<1x!tpu.dma_semaphore, #tpu.memory_space<semaphore_mem>> -> memref<!tpu.dma_semaphore, #tpu.memory_space<semaphore_mem>>
    %dma_start3A_69 = arith.constant 0 : i32
    %dma_start3A_70 = arith.constant 0 : i32
    %dma_start3A_71 = tpu.memref_slice %arg2[%dma_start3A_65, %dma_start3A_69, %dma_start3A_70] : memref<16x256x2048xf32, #tpu.memory_space<vmem>> -> memref<1x256x2048xf32, #tpu.memory_space<vmem>>
    %dma_start3A_72 = tpu.memref_squeeze %dma_start3A_71 : memref<1x256x2048xf32, #tpu.memory_space<vmem>> -> memref<256x2048xf32, #tpu.memory_space<vmem>>
    %dma_start3A_73 = arith.constant 1536 : i32
    %dma_start3A_74 = arith.constant 0 : i32
    %dma_start3A_75 = tpu.memref_slice %arg0[%dma_start3A_73, %dma_start3A_74] : memref<8192x2048xf32, #tpu.memory_space<any>> -> memref<256x2048xf32, #tpu.memory_space<any>>
    tpu.enqueue_dma source(%dma_start3A_75 : memref<256x2048xf32, #tpu.memory_space<any>>) target(%dma_start3A_72 : memref<256x2048xf32, #tpu.memory_space<vmem>>) target_semaphore(%dma_start3A_68 : memref<!tpu.dma_semaphore, #tpu.memory_space<semaphore_mem>>)
    %dma_start3A_76 = arith.constant 7 : i32
    %dma_start3A_77 = arith.constant 7 : i32
    %dma_start3A_78 = tpu.memref_slice %arg3[%dma_start3A_77] : memref<16x!tpu.dma_semaphore, #tpu.memory_space<semaphore_mem>> -> memref<1x!tpu.dma_semaphore, #tpu.memory_space<semaphore_mem>>
    %dma_start3A_79 = tpu.memref_squeeze %dma_start3A_78 : memref<1x!tpu.dma_semaphore, #tpu.memory_space<semaphore_mem>> -> memref<!tpu.dma_semaphore, #tpu.memory_space<semaphore_mem>>
    %dma_start3A_80 = arith.constant 0 : i32
    %dma_start3A_81 = arith.constant 0 : i32
    %dma_start3A_82 = tpu.memref_slice %arg2[%dma_start3A_76, %dma_start3A_80, %dma_start3A_81] : memref<16x256x2048xf32, #tpu.memory_space<vmem>> -> memref<1x256x2048xf32, #tpu.memory_space<vmem>>
    %dma_start3A_83 = tpu.memref_squeeze %dma_start3A_82 : memref<1x256x2048xf32, #tpu.memory_space<vmem>> -> memref<256x2048xf32, #tpu.memory_space<vmem>>
    %dma_start3A_84 = arith.constant 1792 : i32
    %dma_start3A_85 = arith.constant 0 : i32
    %dma_start3A_86 = tpu.memref_slice %arg0[%dma_start3A_84, %dma_start3A_85] : memref<8192x2048xf32, #tpu.memory_space<any>> -> memref<256x2048xf32, #tpu.memory_space<any>>
    tpu.enqueue_dma source(%dma_start3A_86 : memref<256x2048xf32, #tpu.memory_space<any>>) target(%dma_start3A_83 : memref<256x2048xf32, #tpu.memory_space<vmem>>) target_semaphore(%dma_start3A_79 : memref<!tpu.dma_semaphore, #tpu.memory_space<semaphore_mem>>)
    %dma_start3A_87 = arith.constant 8 : i32
    %dma_start3A_88 = arith.constant 8 : i32
    %dma_start3A_89 = tpu.memref_slice %arg3[%dma_start3A_88] : memref<16x!tpu.dma_semaphore, #tpu.memory_space<semaphore_mem>> -> memref<1x!tpu.dma_semaphore, #tpu.memory_space<semaphore_mem>>
    %dma_start3A_90 = tpu.memref_squeeze %dma_start3A_89 : memref<1x!tpu.dma_semaphore, #tpu.memory_space<semaphore_mem>> -> memref<!tpu.dma_semaphore, #tpu.memory_space<semaphore_mem>>
    %dma_start3A_91 = arith.constant 0 : i32
    %dma_start3A_92 = arith.constant 0 : i32
    %dma_start3A_93 = tpu.memref_slice %arg2[%dma_start3A_87, %dma_start3A_91, %dma_start3A_92] : memref<16x256x2048xf32, #tpu.memory_space<vmem>> -> memref<1x256x2048xf32, #tpu.memory_space<vmem>>
    %dma_start3A_94 = tpu.memref_squeeze %dma_start3A_93 : memref<1x256x2048xf32, #tpu.memory_space<vmem>> -> memref<256x2048xf32, #tpu.memory_space<vmem>>
    %dma_start3A_95 = arith.constant 2048 : i32
    %dma_start3A_96 = arith.constant 0 : i32
    %dma_start3A_97 = tpu.memref_slice %arg0[%dma_start3A_95, %dma_start3A_96] : memref<8192x2048xf32, #tpu.memory_space<any>> -> memref<256x2048xf32, #tpu.memory_space<any>>
    tpu.enqueue_dma source(%dma_start3A_97 : memref<256x2048xf32, #tpu.memory_space<any>>) target(%dma_start3A_94 : memref<256x2048xf32, #tpu.memory_space<vmem>>) target_semaphore(%dma_start3A_90 : memref<!tpu.dma_semaphore, #tpu.memory_space<semaphore_mem>>)
    %dma_start3A_98 = arith.constant 9 : i32
    %dma_start3A_99 = arith.constant 9 : i32
    %dma_start3A_100 = tpu.memref_slice %arg3[%dma_start3A_99] : memref<16x!tpu.dma_semaphore, #tpu.memory_space<semaphore_mem>> -> memref<1x!tpu.dma_semaphore, #tpu.memory_space<semaphore_mem>>
    %dma_start3A_101 = tpu.memref_squeeze %dma_start3A_100 : memref<1x!tpu.dma_semaphore, #tpu.memory_space<semaphore_mem>> -> memref<!tpu.dma_semaphore, #tpu.memory_space<semaphore_mem>>
    %dma_start3A_102 = arith.constant 0 : i32
    %dma_start3A_103 = arith.constant 0 : i32
    %dma_start3A_104 = tpu.memref_slice %arg2[%dma_start3A_98, %dma_start3A_102, %dma_start3A_103] : memref<16x256x2048xf32, #tpu.memory_space<vmem>> -> memref<1x256x2048xf32, #tpu.memory_space<vmem>>
    %dma_start3A_105 = tpu.memref_squeeze %dma_start3A_104 : memref<1x256x2048xf32, #tpu.memory_space<vmem>> -> memref<256x2048xf32, #tpu.memory_space<vmem>>
    %dma_start3A_106 = arith.constant 2304 : i32
    %dma_start3A_107 = arith.constant 0 : i32
    %dma_start3A_108 = tpu.memref_slice %arg0[%dma_start3A_106, %dma_start3A_107] : memref<8192x2048xf32, #tpu.memory_space<any>> -> memref<256x2048xf32, #tpu.memory_space<any>>
    tpu.enqueue_dma source(%dma_start3A_108 : memref<256x2048xf32, #tpu.memory_space<any>>) target(%dma_start3A_105 : memref<256x2048xf32, #tpu.memory_space<vmem>>) target_semaphore(%dma_start3A_101 : memref<!tpu.dma_semaphore, #tpu.memory_space<semaphore_mem>>)
    %dma_start3A_109 = arith.constant 10 : i32
    %dma_start3A_110 = arith.constant 10 : i32
    %dma_start3A_111 = tpu.memref_slice %arg3[%dma_start3A_110] : memref<16x!tpu.dma_semaphore, #tpu.memory_space<semaphore_mem>> -> memref<1x!tpu.dma_semaphore, #tpu.memory_space<semaphore_mem>>
    %dma_start3A_112 = tpu.memref_squeeze %dma_start3A_111 : memref<1x!tpu.dma_semaphore, #tpu.memory_space<semaphore_mem>> -> memref<!tpu.dma_semaphore, #tpu.memory_space<semaphore_mem>>
    %dma_start3A_113 = arith.constant 0 : i32
    %dma_start3A_114 = arith.constant 0 : i32
    %dma_start3A_115 = tpu.memref_slice %arg2[%dma_start3A_109, %dma_start3A_113, %dma_start3A_114] : memref<16x256x2048xf32, #tpu.memory_space<vmem>> -> memref<1x256x2048xf32, #tpu.memory_space<vmem>>
    %dma_start3A_116 = tpu.memref_squeeze %dma_start3A_115 : memref<1x256x2048xf32, #tpu.memory_space<vmem>> -> memref<256x2048xf32, #tpu.memory_space<vmem>>
    %dma_start3A_117 = arith.constant 2560 : i32
    %dma_start3A_118 = arith.constant 0 : i32
    %dma_start3A_119 = tpu.memref_slice %arg0[%dma_start3A_117, %dma_start3A_118] : memref<8192x2048xf32, #tpu.memory_space<any>> -> memref<256x2048xf32, #tpu.memory_space<any>>
    tpu.enqueue_dma source(%dma_start3A_119 : memref<256x2048xf32, #tpu.memory_space<any>>) target(%dma_start3A_116 : memref<256x2048xf32, #tpu.memory_space<vmem>>) target_semaphore(%dma_start3A_112 : memref<!tpu.dma_semaphore, #tpu.memory_space<semaphore_mem>>)
    %dma_start3A_120 = arith.constant 11 : i32
    %dma_start3A_121 = arith.constant 11 : i32
    %dma_start3A_122 = tpu.memref_slice %arg3[%dma_start3A_121] : memref<16x!tpu.dma_semaphore, #tpu.memory_space<semaphore_mem>> -> memref<1x!tpu.dma_semaphore, #tpu.memory_space<semaphore_mem>>
    %dma_start3A_123 = tpu.memref_squeeze %dma_start3A_122 : memref<1x!tpu.dma_semaphore, #tpu.memory_space<semaphore_mem>> -> memref<!tpu.dma_semaphore, #tpu.memory_space<semaphore_mem>>
    %dma_start3A_124 = arith.constant 0 : i32
    %dma_start3A_125 = arith.constant 0 : i32
    %dma_start3A_126 = tpu.memref_slice %arg2[%dma_start3A_120, %dma_start3A_124, %dma_start3A_125] : memref<16x256x2048xf32, #tpu.memory_space<vmem>> -> memref<1x256x2048xf32, #tpu.memory_space<vmem>>
    %dma_start3A_127 = tpu.memref_squeeze %dma_start3A_126 : memref<1x256x2048xf32, #tpu.memory_space<vmem>> -> memref<256x2048xf32, #tpu.memory_space<vmem>>
    %dma_start3A_128 = arith.constant 2816 : i32
    %dma_start3A_129 = arith.constant 0 : i32
    %dma_start3A_130 = tpu.memref_slice %arg0[%dma_start3A_128, %dma_start3A_129] : memref<8192x2048xf32, #tpu.memory_space<any>> -> memref<256x2048xf32, #tpu.memory_space<any>>
    tpu.enqueue_dma source(%dma_start3A_130 : memref<256x2048xf32, #tpu.memory_space<any>>) target(%dma_start3A_127 : memref<256x2048xf32, #tpu.memory_space<vmem>>) target_semaphore(%dma_start3A_123 : memref<!tpu.dma_semaphore, #tpu.memory_space<semaphore_mem>>)
    %dma_start3A_131 = arith.constant 12 : i32
    %dma_start3A_132 = arith.constant 12 : i32
    %dma_start3A_133 = tpu.memref_slice %arg3[%dma_start3A_132] : memref<16x!tpu.dma_semaphore, #tpu.memory_space<semaphore_mem>> -> memref<1x!tpu.dma_semaphore, #tpu.memory_space<semaphore_mem>>
    %dma_start3A_134 = tpu.memref_squeeze %dma_start3A_133 : memref<1x!tpu.dma_semaphore, #tpu.memory_space<semaphore_mem>> -> memref<!tpu.dma_semaphore, #tpu.memory_space<semaphore_mem>>
    %dma_start3A_135 = arith.constant 0 : i32
    %dma_start3A_136 = arith.constant 0 : i32
    %dma_start3A_137 = tpu.memref_slice %arg2[%dma_start3A_131, %dma_start3A_135, %dma_start3A_136] : memref<16x256x2048xf32, #tpu.memory_space<vmem>> -> memref<1x256x2048xf32, #tpu.memory_space<vmem>>
    %dma_start3A_138 = tpu.memref_squeeze %dma_start3A_137 : memref<1x256x2048xf32, #tpu.memory_space<vmem>> -> memref<256x2048xf32, #tpu.memory_space<vmem>>
    %dma_start3A_139 = arith.constant 3072 : i32
    %dma_start3A_140 = arith.constant 0 : i32
    %dma_start3A_141 = tpu.memref_slice %arg0[%dma_start3A_139, %dma_start3A_140] : memref<8192x2048xf32, #tpu.memory_space<any>> -> memref<256x2048xf32, #tpu.memory_space<any>>
    tpu.enqueue_dma source(%dma_start3A_141 : memref<256x2048xf32, #tpu.memory_space<any>>) target(%dma_start3A_138 : memref<256x2048xf32, #tpu.memory_space<vmem>>) target_semaphore(%dma_start3A_134 : memref<!tpu.dma_semaphore, #tpu.memory_space<semaphore_mem>>)
    %dma_start3A_142 = arith.constant 13 : i32
    %dma_start3A_143 = arith.constant 13 : i32
    %dma_start3A_144 = tpu.memref_slice %arg3[%dma_start3A_143] : memref<16x!tpu.dma_semaphore, #tpu.memory_space<semaphore_mem>> -> memref<1x!tpu.dma_semaphore, #tpu.memory_space<semaphore_mem>>
    %dma_start3A_145 = tpu.memref_squeeze %dma_start3A_144 : memref<1x!tpu.dma_semaphore, #tpu.memory_space<semaphore_mem>> -> memref<!tpu.dma_semaphore, #tpu.memory_space<semaphore_mem>>
    %dma_start3A_146 = arith.constant 0 : i32
    %dma_start3A_147 = arith.constant 0 : i32
    %dma_start3A_148 = tpu.memref_slice %arg2[%dma_start3A_142, %dma_start3A_146, %dma_start3A_147] : memref<16x256x2048xf32, #tpu.memory_space<vmem>> -> memref<1x256x2048xf32, #tpu.memory_space<vmem>>
    %dma_start3A_149 = tpu.memref_squeeze %dma_start3A_148 : memref<1x256x2048xf32, #tpu.memory_space<vmem>> -> memref<256x2048xf32, #tpu.memory_space<vmem>>
    %dma_start3A_150 = arith.constant 3328 : i32
    %dma_start3A_151 = arith.constant 0 : i32
    %dma_start3A_152 = tpu.memref_slice %arg0[%dma_start3A_150, %dma_start3A_151] : memref<8192x2048xf32, #tpu.memory_space<any>> -> memref<256x2048xf32, #tpu.memory_space<any>>
    tpu.enqueue_dma source(%dma_start3A_152 : memref<256x2048xf32, #tpu.memory_space<any>>) target(%dma_start3A_149 : memref<256x2048xf32, #tpu.memory_space<vmem>>) target_semaphore(%dma_start3A_145 : memref<!tpu.dma_semaphore, #tpu.memory_space<semaphore_mem>>)
    %dma_start3A_153 = arith.constant 14 : i32
    %dma_start3A_154 = arith.constant 14 : i32
    %dma_start3A_155 = tpu.memref_slice %arg3[%dma_start3A_154] : memref<16x!tpu.dma_semaphore, #tpu.memory_space<semaphore_mem>> -> memref<1x!tpu.dma_semaphore, #tpu.memory_space<semaphore_mem>>
    %dma_start3A_156 = tpu.memref_squeeze %dma_start3A_155 : memref<1x!tpu.dma_semaphore, #tpu.memory_space<semaphore_mem>> -> memref<!tpu.dma_semaphore, #tpu.memory_space<semaphore_mem>>
    %dma_start3A_157 = arith.constant 0 : i32
    %dma_start3A_158 = arith.constant 0 : i32
    %dma_start3A_159 = tpu.memref_slice %arg2[%dma_start3A_153, %dma_start3A_157, %dma_start3A_158] : memref<16x256x2048xf32, #tpu.memory_space<vmem>> -> memref<1x256x2048xf32, #tpu.memory_space<vmem>>
    %dma_start3A_160 = tpu.memref_squeeze %dma_start3A_159 : memref<1x256x2048xf32, #tpu.memory_space<vmem>> -> memref<256x2048xf32, #tpu.memory_space<vmem>>
    %dma_start3A_161 = arith.constant 3584 : i32
    %dma_start3A_162 = arith.constant 0 : i32
    %dma_start3A_163 = tpu.memref_slice %arg0[%dma_start3A_161, %dma_start3A_162] : memref<8192x2048xf32, #tpu.memory_space<any>> -> memref<256x2048xf32, #tpu.memory_space<any>>
    tpu.enqueue_dma source(%dma_start3A_163 : memref<256x2048xf32, #tpu.memory_space<any>>) target(%dma_start3A_160 : memref<256x2048xf32, #tpu.memory_space<vmem>>) target_semaphore(%dma_start3A_156 : memref<!tpu.dma_semaphore, #tpu.memory_space<semaphore_mem>>)
    %dma_start3A_164 = arith.constant 15 : i32
    %dma_start3A_165 = arith.constant 15 : i32
    %dma_start3A_166 = tpu.memref_slice %arg3[%dma_start3A_165] : memref<16x!tpu.dma_semaphore, #tpu.memory_space<semaphore_mem>> -> memref<1x!tpu.dma_semaphore, #tpu.memory_space<semaphore_mem>>
    %dma_start3A_167 = tpu.memref_squeeze %dma_start3A_166 : memref<1x!tpu.dma_semaphore, #tpu.memory_space<semaphore_mem>> -> memref<!tpu.dma_semaphore, #tpu.memory_space<semaphore_mem>>
    %dma_start3A_168 = arith.constant 0 : i32
    %dma_start3A_169 = arith.constant 0 : i32
    %dma_start3A_170 = tpu.memref_slice %arg2[%dma_start3A_164, %dma_start3A_168, %dma_start3A_169] : memref<16x256x2048xf32, #tpu.memory_space<vmem>> -> memref<1x256x2048xf32, #tpu.memory_space<vmem>>
    %dma_start3A_171 = tpu.memref_squeeze %dma_start3A_170 : memref<1x256x2048xf32, #tpu.memory_space<vmem>> -> memref<256x2048xf32, #tpu.memory_space<vmem>>
    %dma_start3A_172 = arith.constant 3840 : i32
    %dma_start3A_173 = arith.constant 0 : i32
    %dma_start3A_174 = tpu.memref_slice %arg0[%dma_start3A_172, %dma_start3A_173] : memref<8192x2048xf32, #tpu.memory_space<any>> -> memref<256x2048xf32, #tpu.memory_space<any>>
    tpu.enqueue_dma source(%dma_start3A_174 : memref<256x2048xf32, #tpu.memory_space<any>>) target(%dma_start3A_171 : memref<256x2048xf32, #tpu.memory_space<vmem>>) target_semaphore(%dma_start3A_167 : memref<!tpu.dma_semaphore, #tpu.memory_space<semaphore_mem>>)
    %dma_wait3A = arith.constant 0 : i32
    %dma_wait3A_175 = arith.constant 0 : i32
    %dma_wait3A_176 = tpu.memref_slice %arg3[%dma_wait3A_175] : memref<16x!tpu.dma_semaphore, #tpu.memory_space<semaphore_mem>> -> memref<1x!tpu.dma_semaphore, #tpu.memory_space<semaphore_mem>>
    %dma_wait3A_177 = tpu.memref_squeeze %dma_wait3A_176 : memref<1x!tpu.dma_semaphore, #tpu.memory_space<semaphore_mem>> -> memref<!tpu.dma_semaphore, #tpu.memory_space<semaphore_mem>>
    %dma_wait3A_178 = arith.constant 0 : i32
    %dma_wait3A_179 = arith.constant 0 : i32
    %dma_wait3A_180 = tpu.memref_slice %arg2[%dma_wait3A, %dma_wait3A_178, %dma_wait3A_179] : memref<16x256x2048xf32, #tpu.memory_space<vmem>> -> memref<1x256x2048xf32, #tpu.memory_space<vmem>>
    %dma_wait3A_181 = tpu.memref_squeeze %dma_wait3A_180 : memref<1x256x2048xf32, #tpu.memory_space<vmem>> -> memref<256x2048xf32, #tpu.memory_space<vmem>>
    %dma_wait3A_182 = arith.constant 0 : i32
    %dma_wait3A_183 = arith.constant 0 : i32
    %dma_wait3A_184 = tpu.memref_slice %arg0[%dma_wait3A_182, %dma_wait3A_183] : memref<8192x2048xf32, #tpu.memory_space<any>> -> memref<256x2048xf32, #tpu.memory_space<any>>
    tpu.wait_dma2 semaphore(%dma_wait3A_177 : memref<!tpu.dma_semaphore, #tpu.memory_space<semaphore_mem>>) src(%dma_wait3A_184 : memref<256x2048xf32, #tpu.memory_space<any>>) dst(%dma_wait3A_181 : memref<256x2048xf32, #tpu.memory_space<vmem>>)
    %dma_start3A_185 = arith.constant 0 : i32
    %dma_start3A_186 = arith.constant 0 : i32
    %dma_start3A_187 = tpu.memref_slice %arg4[%dma_start3A_186] : memref<16x!tpu.dma_semaphore, #tpu.memory_space<semaphore_mem>> -> memref<1x!tpu.dma_semaphore, #tpu.memory_space<semaphore_mem>>
    %dma_start3A_188 = tpu.memref_squeeze %dma_start3A_187 : memref<1x!tpu.dma_semaphore, #tpu.memory_space<semaphore_mem>> -> memref<!tpu.dma_semaphore, #tpu.memory_space<semaphore_mem>>
    %dma_start3A_189 = arith.constant 0 : i32
    %dma_start3A_190 = arith.constant 0 : i32
    %dma_start3A_191 = tpu.memref_slice %arg1[%dma_start3A_189, %dma_start3A_190] : memref<5120x2048xf32, #tpu.memory_space<any>> -> memref<256x2048xf32, #tpu.memory_space<any>>
    %dma_start3A_192 = arith.constant 0 : i32
    %dma_start3A_193 = arith.constant 0 : i32
    %dma_start3A_194 = tpu.memref_slice %arg2[%dma_start3A_185, %dma_start3A_192, %dma_start3A_193] : memref<16x256x2048xf32, #tpu.memory_space<vmem>> -> memref<1x256x2048xf32, #tpu.memory_space<vmem>>
    %dma_start3A_195 = tpu.memref_squeeze %dma_start3A_194 : memref<1x256x2048xf32, #tpu.memory_space<vmem>> -> memref<256x2048xf32, #tpu.memory_space<vmem>>
    tpu.enqueue_dma source(%dma_start3A_195 : memref<256x2048xf32, #tpu.memory_space<vmem>>) target(%dma_start3A_191 : memref<256x2048xf32, #tpu.memory_space<any>>) target_semaphore(%dma_start3A_188 : memref<!tpu.dma_semaphore, #tpu.memory_space<semaphore_mem>>)
    %dma_wait3A_196 = arith.constant 0 : i32
    %dma_wait3A_197 = arith.constant 0 : i32
    %dma_wait3A_198 = tpu.memref_slice %arg4[%dma_wait3A_197] : memref<16x!tpu.dma_semaphore, #tpu.memory_space<semaphore_mem>> -> memref<1x!tpu.dma_semaphore, #tpu.memory_space<semaphore_mem>>
    %dma_wait3A_199 = tpu.memref_squeeze %dma_wait3A_198 : memref<1x!tpu.dma_semaphore, #tpu.memory_space<semaphore_mem>> -> memref<!tpu.dma_semaphore, #tpu.memory_space<semaphore_mem>>
    %dma_wait3A_200 = arith.constant 0 : i32
    %dma_wait3A_201 = arith.constant 0 : i32
    %dma_wait3A_202 = tpu.memref_slice %arg1[%dma_wait3A_200, %dma_wait3A_201] : memref<5120x2048xf32, #tpu.memory_space<any>> -> memref<256x2048xf32, #tpu.memory_space<any>>
    %dma_wait3A_203 = arith.constant 0 : i32
    %dma_wait3A_204 = arith.constant 0 : i32
    %dma_wait3A_205 = tpu.memref_slice %arg2[%dma_wait3A_196, %dma_wait3A_203, %dma_wait3A_204] : memref<16x256x2048xf32, #tpu.memory_space<vmem>> -> memref<1x256x2048xf32, #tpu.memory_space<vmem>>
    %dma_wait3A_206 = tpu.memref_squeeze %dma_wait3A_205 : memref<1x256x2048xf32, #tpu.memory_space<vmem>> -> memref<256x2048xf32, #tpu.memory_space<vmem>>
    tpu.wait_dma2 semaphore(%dma_wait3A_199 : memref<!tpu.dma_semaphore, #tpu.memory_space<semaphore_mem>>) src(%dma_wait3A_206 : memref<256x2048xf32, #tpu.memory_space<vmem>>) dst(%dma_wait3A_202 : memref<256x2048xf32, #tpu.memory_space<any>>)
    %dma_start3A_207 = arith.constant 0 : i32
    %dma_start3A_208 = arith.constant 0 : i32
    %dma_start3A_209 = tpu.memref_slice %arg3[%dma_start3A_208] : memref<16x!tpu.dma_semaphore, #tpu.memory_space<semaphore_mem>> -> memref<1x!tpu.dma_semaphore, #tpu.memory_space<semaphore_mem>>
    %dma_start3A_210 = tpu.memref_squeeze %dma_start3A_209 : memref<1x!tpu.dma_semaphore, #tpu.memory_space<semaphore_mem>> -> memref<!tpu.dma_semaphore, #tpu.memory_space<semaphore_mem>>
    %dma_start3A_211 = arith.constant 0 : i32
    %dma_start3A_212 = arith.constant 0 : i32
    %dma_start3A_213 = tpu.memref_slice %arg2[%dma_start3A_207, %dma_start3A_211, %dma_start3A_212] : memref<16x256x2048xf32, #tpu.memory_space<vmem>> -> memref<1x256x2048xf32, #tpu.memory_space<vmem>>
    %dma_start3A_214 = tpu.memref_squeeze %dma_start3A_213 : memref<1x256x2048xf32, #tpu.memory_space<vmem>> -> memref<256x2048xf32, #tpu.memory_space<vmem>>
    %dma_start3A_215 = arith.constant 4096 : i32
    %dma_start3A_216 = arith.constant 0 : i32
    %dma_start3A_217 = tpu.memref_slice %arg0[%dma_start3A_215, %dma_start3A_216] : memref<8192x2048xf32, #tpu.memory_space<any>> -> memref<256x2048xf32, #tpu.memory_space<any>>
    tpu.enqueue_dma source(%dma_start3A_217 : memref<256x2048xf32, #tpu.memory_space<any>>) target(%dma_start3A_214 : memref<256x2048xf32, #tpu.memory_space<vmem>>) target_semaphore(%dma_start3A_210 : memref<!tpu.dma_semaphore, #tpu.memory_space<semaphore_mem>>)
    %dma_wait3A_218 = arith.constant 1 : i32
    %dma_wait3A_219 = arith.constant 1 : i32
    %dma_wait3A_220 = tpu.memref_slice %arg3[%dma_wait3A_219] : memref<16x!tpu.dma_semaphore, #tpu.memory_space<semaphore_mem>> -> memref<1x!tpu.dma_semaphore, #tpu.memory_space<semaphore_mem>>
    %dma_wait3A_221 = tpu.memref_squeeze %dma_wait3A_220 : memref<1x!tpu.dma_semaphore, #tpu.memory_space<semaphore_mem>> -> memref<!tpu.dma_semaphore, #tpu.memory_space<semaphore_mem>>
    %dma_wait3A_222 = arith.constant 0 : i32
    %dma_wait3A_223 = arith.constant 0 : i32
    %dma_wait3A_224 = tpu.memref_slice %arg2[%dma_wait3A_218, %dma_wait3A_222, %dma_wait3A_223] : memref<16x256x2048xf32, #tpu.memory_space<vmem>> -> memref<1x256x2048xf32, #tpu.memory_space<vmem>>
    %dma_wait3A_225 = tpu.memref_squeeze %dma_wait3A_224 : memref<1x256x2048xf32, #tpu.memory_space<vmem>> -> memref<256x2048xf32, #tpu.memory_space<vmem>>
    %dma_wait3A_226 = arith.constant 256 : i32
    %dma_wait3A_227 = arith.constant 0 : i32
    %dma_wait3A_228 = tpu.memref_slice %arg0[%dma_wait3A_226, %dma_wait3A_227] : memref<8192x2048xf32, #tpu.memory_space<any>> -> memref<256x2048xf32, #tpu.memory_space<any>>
    tpu.wait_dma2 semaphore(%dma_wait3A_221 : memref<!tpu.dma_semaphore, #tpu.memory_space<semaphore_mem>>) src(%dma_wait3A_228 : memref<256x2048xf32, #tpu.memory_space<any>>) dst(%dma_wait3A_225 : memref<256x2048xf32, #tpu.memory_space<vmem>>)
    %dma_start3A_229 = arith.constant 1 : i32
    %dma_start3A_230 = arith.constant 1 : i32
    %dma_start3A_231 = tpu.memref_slice %arg4[%dma_start3A_230] : memref<16x!tpu.dma_semaphore, #tpu.memory_space<semaphore_mem>> -> memref<1x!tpu.dma_semaphore, #tpu.memory_space<semaphore_mem>>
    %dma_start3A_232 = tpu.memref_squeeze %dma_start3A_231 : memref<1x!tpu.dma_semaphore, #tpu.memory_space<semaphore_mem>> -> memref<!tpu.dma_semaphore, #tpu.memory_space<semaphore_mem>>
    %dma_start3A_233 = arith.constant 256 : i32
    %dma_start3A_234 = arith.constant 0 : i32
    %dma_start3A_235 = tpu.memref_slice %arg1[%dma_start3A_233, %dma_start3A_234] : memref<5120x2048xf32, #tpu.memory_space<any>> -> memref<256x2048xf32, #tpu.memory_space<any>>
    %dma_start3A_236 = arith.constant 0 : i32
    %dma_start3A_237 = arith.constant 0 : i32
    %dma_start3A_238 = tpu.memref_slice %arg2[%dma_start3A_229, %dma_start3A_236, %dma_start3A_237] : memref<16x256x2048xf32, #tpu.memory_space<vmem>> -> memref<1x256x2048xf32, #tpu.memory_space<vmem>>
    %dma_start3A_239 = tpu.memref_squeeze %dma_start3A_238 : memref<1x256x2048xf32, #tpu.memory_space<vmem>> -> memref<256x2048xf32, #tpu.memory_space<vmem>>
    tpu.enqueue_dma source(%dma_start3A_239 : memref<256x2048xf32, #tpu.memory_space<vmem>>) target(%dma_start3A_235 : memref<256x2048xf32, #tpu.memory_space<any>>) target_semaphore(%dma_start3A_232 : memref<!tpu.dma_semaphore, #tpu.memory_space<semaphore_mem>>)
    %dma_wait3A_240 = arith.constant 1 : i32
    %dma_wait3A_241 = arith.constant 1 : i32
    %dma_wait3A_242 = tpu.memref_slice %arg4[%dma_wait3A_241] : memref<16x!tpu.dma_semaphore, #tpu.memory_space<semaphore_mem>> -> memref<1x!tpu.dma_semaphore, #tpu.memory_space<semaphore_mem>>
    %dma_wait3A_243 = tpu.memref_squeeze %dma_wait3A_242 : memref<1x!tpu.dma_semaphore, #tpu.memory_space<semaphore_mem>> -> memref<!tpu.dma_semaphore, #tpu.memory_space<semaphore_mem>>
    %dma_wait3A_244 = arith.constant 256 : i32
    %dma_wait3A_245 = arith.constant 0 : i32
    %dma_wait3A_246 = tpu.memref_slice %arg1[%dma_wait3A_244, %dma_wait3A_245] : memref<5120x2048xf32, #tpu.memory_space<any>> -> memref<256x2048xf32, #tpu.memory_space<any>>
    %dma_wait3A_247 = arith.constant 0 : i32
    %dma_wait3A_248 = arith.constant 0 : i32
    %dma_wait3A_249 = tpu.memref_slice %arg2[%dma_wait3A_240, %dma_wait3A_247, %dma_wait3A_248] : memref<16x256x2048xf32, #tpu.memory_space<vmem>> -> memref<1x256x2048xf32, #tpu.memory_space<vmem>>
    %dma_wait3A_250 = tpu.memref_squeeze %dma_wait3A_249 : memref<1x256x2048xf32, #tpu.memory_space<vmem>> -> memref<256x2048xf32, #tpu.memory_space<vmem>>
    tpu.wait_dma2 semaphore(%dma_wait3A_243 : memref<!tpu.dma_semaphore, #tpu.memory_space<semaphore_mem>>) src(%dma_wait3A_250 : memref<256x2048xf32, #tpu.memory_space<vmem>>) dst(%dma_wait3A_246 : memref<256x2048xf32, #tpu.memory_space<any>>)
    %dma_start3A_251 = arith.constant 1 : i32
    %dma_start3A_252 = arith.constant 1 : i32
    %dma_start3A_253 = tpu.memref_slice %arg3[%dma_start3A_252] : memref<16x!tpu.dma_semaphore, #tpu.memory_space<semaphore_mem>> -> memref<1x!tpu.dma_semaphore, #tpu.memory_space<semaphore_mem>>
    %dma_start3A_254 = tpu.memref_squeeze %dma_start3A_253 : memref<1x!tpu.dma_semaphore, #tpu.memory_space<semaphore_mem>> -> memref<!tpu.dma_semaphore, #tpu.memory_space<semaphore_mem>>
    %dma_start3A_255 = arith.constant 0 : i32
    %dma_start3A_256 = arith.constant 0 : i32
    %dma_start3A_257 = tpu.memref_slice %arg2[%dma_start3A_251, %dma_start3A_255, %dma_start3A_256] : memref<16x256x2048xf32, #tpu.memory_space<vmem>> -> memref<1x256x2048xf32, #tpu.memory_space<vmem>>
    %dma_start3A_258 = tpu.memref_squeeze %dma_start3A_257 : memref<1x256x2048xf32, #tpu.memory_space<vmem>> -> memref<256x2048xf32, #tpu.memory_space<vmem>>
    %dma_start3A_259 = arith.constant 4352 : i32
    %dma_start3A_260 = arith.constant 0 : i32
    %dma_start3A_261 = tpu.memref_slice %arg0[%dma_start3A_259, %dma_start3A_260] : memref<8192x2048xf32, #tpu.memory_space<any>> -> memref<256x2048xf32, #tpu.memory_space<any>>
    tpu.enqueue_dma source(%dma_start3A_261 : memref<256x2048xf32, #tpu.memory_space<any>>) target(%dma_start3A_258 : memref<256x2048xf32, #tpu.memory_space<vmem>>) target_semaphore(%dma_start3A_254 : memref<!tpu.dma_semaphore, #tpu.memory_space<semaphore_mem>>)
    %dma_wait3A_262 = arith.constant 2 : i32
    %dma_wait3A_263 = arith.constant 2 : i32
    %dma_wait3A_264 = tpu.memref_slice %arg3[%dma_wait3A_263] : memref<16x!tpu.dma_semaphore, #tpu.memory_space<semaphore_mem>> -> memref<1x!tpu.dma_semaphore, #tpu.memory_space<semaphore_mem>>
    %dma_wait3A_265 = tpu.memref_squeeze %dma_wait3A_264 : memref<1x!tpu.dma_semaphore, #tpu.memory_space<semaphore_mem>> -> memref<!tpu.dma_semaphore, #tpu.memory_space<semaphore_mem>>
    %dma_wait3A_266 = arith.constant 0 : i32
    %dma_wait3A_267 = arith.constant 0 : i32
    %dma_wait3A_268 = tpu.memref_slice %arg2[%dma_wait3A_262, %dma_wait3A_266, %dma_wait3A_267] : memref<16x256x2048xf32, #tpu.memory_space<vmem>> -> memref<1x256x2048xf32, #tpu.memory_space<vmem>>
    %dma_wait3A_269 = tpu.memref_squeeze %dma_wait3A_268 : memref<1x256x2048xf32, #tpu.memory_space<vmem>> -> memref<256x2048xf32, #tpu.memory_space<vmem>>
    %dma_wait3A_270 = arith.constant 512 : i32
    %dma_wait3A_271 = arith.constant 0 : i32
    %dma_wait3A_272 = tpu.memref_slice %arg0[%dma_wait3A_270, %dma_wait3A_271] : memref<8192x2048xf32, #tpu.memory_space<any>> -> memref<256x2048xf32, #tpu.memory_space<any>>
    tpu.wait_dma2 semaphore(%dma_wait3A_265 : memref<!tpu.dma_semaphore, #tpu.memory_space<semaphore_mem>>) src(%dma_wait3A_272 : memref<256x2048xf32, #tpu.memory_space<any>>) dst(%dma_wait3A_269 : memref<256x2048xf32, #tpu.memory_space<vmem>>)
    %dma_start3A_273 = arith.constant 2 : i32
    %dma_start3A_274 = arith.constant 2 : i32
    %dma_start3A_275 = tpu.memref_slice %arg4[%dma_start3A_274] : memref<16x!tpu.dma_semaphore, #tpu.memory_space<semaphore_mem>> -> memref<1x!tpu.dma_semaphore, #tpu.memory_space<semaphore_mem>>
    %dma_start3A_276 = tpu.memref_squeeze %dma_start3A_275 : memref<1x!tpu.dma_semaphore, #tpu.memory_space<semaphore_mem>> -> memref<!tpu.dma_semaphore, #tpu.memory_space<semaphore_mem>>
    %dma_start3A_277 = arith.constant 512 : i32
    %dma_start3A_278 = arith.constant 0 : i32
    %dma_start3A_279 = tpu.memref_slice %arg1[%dma_start3A_277, %dma_start3A_278] : memref<5120x2048xf32, #tpu.memory_space<any>> -> memref<256x2048xf32, #tpu.memory_space<any>>
    %dma_start3A_280 = arith.constant 0 : i32
    %dma_start3A_281 = arith.constant 0 : i32
    %dma_start3A_282 = tpu.memref_slice %arg2[%dma_start3A_273, %dma_start3A_280, %dma_start3A_281] : memref<16x256x2048xf32, #tpu.memory_space<vmem>> -> memref<1x256x2048xf32, #tpu.memory_space<vmem>>
    %dma_start3A_283 = tpu.memref_squeeze %dma_start3A_282 : memref<1x256x2048xf32, #tpu.memory_space<vmem>> -> memref<256x2048xf32, #tpu.memory_space<vmem>>
    tpu.enqueue_dma source(%dma_start3A_283 : memref<256x2048xf32, #tpu.memory_space<vmem>>) target(%dma_start3A_279 : memref<256x2048xf32, #tpu.memory_space<any>>) target_semaphore(%dma_start3A_276 : memref<!tpu.dma_semaphore, #tpu.memory_space<semaphore_mem>>)
    %dma_wait3A_284 = arith.constant 2 : i32
    %dma_wait3A_285 = arith.constant 2 : i32
    %dma_wait3A_286 = tpu.memref_slice %arg4[%dma_wait3A_285] : memref<16x!tpu.dma_semaphore, #tpu.memory_space<semaphore_mem>> -> memref<1x!tpu.dma_semaphore, #tpu.memory_space<semaphore_mem>>
    %dma_wait3A_287 = tpu.memref_squeeze %dma_wait3A_286 : memref<1x!tpu.dma_semaphore, #tpu.memory_space<semaphore_mem>> -> memref<!tpu.dma_semaphore, #tpu.memory_space<semaphore_mem>>
    %dma_wait3A_288 = arith.constant 512 : i32
    %dma_wait3A_289 = arith.constant 0 : i32
    %dma_wait3A_290 = tpu.memref_slice %arg1[%dma_wait3A_288, %dma_wait3A_289] : memref<5120x2048xf32, #tpu.memory_space<any>> -> memref<256x2048xf32, #tpu.memory_space<any>>
    %dma_wait3A_291 = arith.constant 0 : i32
    %dma_wait3A_292 = arith.constant 0 : i32
    %dma_wait3A_293 = tpu.memref_slice %arg2[%dma_wait3A_284, %dma_wait3A_291, %dma_wait3A_292] : memref<16x256x2048xf32, #tpu.memory_space<vmem>> -> memref<1x256x2048xf32, #tpu.memory_space<vmem>>
    %dma_wait3A_294 = tpu.memref_squeeze %dma_wait3A_293 : memref<1x256x2048xf32, #tpu.memory_space<vmem>> -> memref<256x2048xf32, #tpu.memory_space<vmem>>
    tpu.wait_dma2 semaphore(%dma_wait3A_287 : memref<!tpu.dma_semaphore, #tpu.memory_space<semaphore_mem>>) src(%dma_wait3A_294 : memref<256x2048xf32, #tpu.memory_space<vmem>>) dst(%dma_wait3A_290 : memref<256x2048xf32, #tpu.memory_space<any>>)
    %dma_start3A_295 = arith.constant 2 : i32
    %dma_start3A_296 = arith.constant 2 : i32
    %dma_start3A_297 = tpu.memref_slice %arg3[%dma_start3A_296] : memref<16x!tpu.dma_semaphore, #tpu.memory_space<semaphore_mem>> -> memref<1x!tpu.dma_semaphore, #tpu.memory_space<semaphore_mem>>
    %dma_start3A_298 = tpu.memref_squeeze %dma_start3A_297 : memref<1x!tpu.dma_semaphore, #tpu.memory_space<semaphore_mem>> -> memref<!tpu.dma_semaphore, #tpu.memory_space<semaphore_mem>>
    %dma_start3A_299 = arith.constant 0 : i32
    %dma_start3A_300 = arith.constant 0 : i32
    %dma_start3A_301 = tpu.memref_slice %arg2[%dma_start3A_295, %dma_start3A_299, %dma_start3A_300] : memref<16x256x2048xf32, #tpu.memory_space<vmem>> -> memref<1x256x2048xf32, #tpu.memory_space<vmem>>
    %dma_start3A_302 = tpu.memref_squeeze %dma_start3A_301 : memref<1x256x2048xf32, #tpu.memory_space<vmem>> -> memref<256x2048xf32, #tpu.memory_space<vmem>>
    %dma_start3A_303 = arith.constant 4608 : i32
    %dma_start3A_304 = arith.constant 0 : i32
    %dma_start3A_305 = tpu.memref_slice %arg0[%dma_start3A_303, %dma_start3A_304] : memref<8192x2048xf32, #tpu.memory_space<any>> -> memref<256x2048xf32, #tpu.memory_space<any>>
    tpu.enqueue_dma source(%dma_start3A_305 : memref<256x2048xf32, #tpu.memory_space<any>>) target(%dma_start3A_302 : memref<256x2048xf32, #tpu.memory_space<vmem>>) target_semaphore(%dma_start3A_298 : memref<!tpu.dma_semaphore, #tpu.memory_space<semaphore_mem>>)
    %dma_wait3A_306 = arith.constant 3 : i32
    %dma_wait3A_307 = arith.constant 3 : i32
    %dma_wait3A_308 = tpu.memref_slice %arg3[%dma_wait3A_307] : memref<16x!tpu.dma_semaphore, #tpu.memory_space<semaphore_mem>> -> memref<1x!tpu.dma_semaphore, #tpu.memory_space<semaphore_mem>>
    %dma_wait3A_309 = tpu.memref_squeeze %dma_wait3A_308 : memref<1x!tpu.dma_semaphore, #tpu.memory_space<semaphore_mem>> -> memref<!tpu.dma_semaphore, #tpu.memory_space<semaphore_mem>>
    %dma_wait3A_310 = arith.constant 0 : i32
    %dma_wait3A_311 = arith.constant 0 : i32
    %dma_wait3A_312 = tpu.memref_slice %arg2[%dma_wait3A_306, %dma_wait3A_310, %dma_wait3A_311] : memref<16x256x2048xf32, #tpu.memory_space<vmem>> -> memref<1x256x2048xf32, #tpu.memory_space<vmem>>
    %dma_wait3A_313 = tpu.memref_squeeze %dma_wait3A_312 : memref<1x256x2048xf32, #tpu.memory_space<vmem>> -> memref<256x2048xf32, #tpu.memory_space<vmem>>
    %dma_wait3A_314 = arith.constant 768 : i32
    %dma_wait3A_315 = arith.constant 0 : i32
    %dma_wait3A_316 = tpu.memref_slice %arg0[%dma_wait3A_314, %dma_wait3A_315] : memref<8192x2048xf32, #tpu.memory_space<any>> -> memref<256x2048xf32, #tpu.memory_space<any>>
    tpu.wait_dma2 semaphore(%dma_wait3A_309 : memref<!tpu.dma_semaphore, #tpu.memory_space<semaphore_mem>>) src(%dma_wait3A_316 : memref<256x2048xf32, #tpu.memory_space<any>>) dst(%dma_wait3A_313 : memref<256x2048xf32, #tpu.memory_space<vmem>>)
    %dma_start3A_317 = arith.constant 3 : i32
    %dma_start3A_318 = arith.constant 3 : i32
    %dma_start3A_319 = tpu.memref_slice %arg4[%dma_start3A_318] : memref<16x!tpu.dma_semaphore, #tpu.memory_space<semaphore_mem>> -> memref<1x!tpu.dma_semaphore, #tpu.memory_space<semaphore_mem>>
    %dma_start3A_320 = tpu.memref_squeeze %dma_start3A_319 : memref<1x!tpu.dma_semaphore, #tpu.memory_space<semaphore_mem>> -> memref<!tpu.dma_semaphore, #tpu.memory_space<semaphore_mem>>
    %dma_start3A_321 = arith.constant 768 : i32
    %dma_start3A_322 = arith.constant 0 : i32
    %dma_start3A_323 = tpu.memref_slice %arg1[%dma_start3A_321, %dma_start3A_322] : memref<5120x2048xf32, #tpu.memory_space<any>> -> memref<256x2048xf32, #tpu.memory_space<any>>
    %dma_start3A_324 = arith.constant 0 : i32
    %dma_start3A_325 = arith.constant 0 : i32
    %dma_start3A_326 = tpu.memref_slice %arg2[%dma_start3A_317, %dma_start3A_324, %dma_start3A_325] : memref<16x256x2048xf32, #tpu.memory_space<vmem>> -> memref<1x256x2048xf32, #tpu.memory_space<vmem>>
    %dma_start3A_327 = tpu.memref_squeeze %dma_start3A_326 : memref<1x256x2048xf32, #tpu.memory_space<vmem>> -> memref<256x2048xf32, #tpu.memory_space<vmem>>
    tpu.enqueue_dma source(%dma_start3A_327 : memref<256x2048xf32, #tpu.memory_space<vmem>>) target(%dma_start3A_323 : memref<256x2048xf32, #tpu.memory_space<any>>) target_semaphore(%dma_start3A_320 : memref<!tpu.dma_semaphore, #tpu.memory_space<semaphore_mem>>)
    %dma_wait3A_328 = arith.constant 3 : i32
    %dma_wait3A_329 = arith.constant 3 : i32
    %dma_wait3A_330 = tpu.memref_slice %arg4[%dma_wait3A_329] : memref<16x!tpu.dma_semaphore, #tpu.memory_space<semaphore_mem>> -> memref<1x!tpu.dma_semaphore, #tpu.memory_space<semaphore_mem>>
    %dma_wait3A_331 = tpu.memref_squeeze %dma_wait3A_330 : memref<1x!tpu.dma_semaphore, #tpu.memory_space<semaphore_mem>> -> memref<!tpu.dma_semaphore, #tpu.memory_space<semaphore_mem>>
    %dma_wait3A_332 = arith.constant 768 : i32
    %dma_wait3A_333 = arith.constant 0 : i32
    %dma_wait3A_334 = tpu.memref_slice %arg1[%dma_wait3A_332, %dma_wait3A_333] : memref<5120x2048xf32, #tpu.memory_space<any>> -> memref<256x2048xf32, #tpu.memory_space<any>>
    %dma_wait3A_335 = arith.constant 0 : i32
    %dma_wait3A_336 = arith.constant 0 : i32
    %dma_wait3A_337 = tpu.memref_slice %arg2[%dma_wait3A_328, %dma_wait3A_335, %dma_wait3A_336] : memref<16x256x2048xf32, #tpu.memory_space<vmem>> -> memref<1x256x2048xf32, #tpu.memory_space<vmem>>
    %dma_wait3A_338 = tpu.memref_squeeze %dma_wait3A_337 : memref<1x256x2048xf32, #tpu.memory_space<vmem>> -> memref<256x2048xf32, #tpu.memory_space<vmem>>
    tpu.wait_dma2 semaphore(%dma_wait3A_331 : memref<!tpu.dma_semaphore, #tpu.memory_space<semaphore_mem>>) src(%dma_wait3A_338 : memref<256x2048xf32, #tpu.memory_space<vmem>>) dst(%dma_wait3A_334 : memref<256x2048xf32, #tpu.memory_space<any>>)
    %dma_start3A_339 = arith.constant 3 : i32
    %dma_start3A_340 = arith.constant 3 : i32
    %dma_start3A_341 = tpu.memref_slice %arg3[%dma_start3A_340] : memref<16x!tpu.dma_semaphore, #tpu.memory_space<semaphore_mem>> -> memref<1x!tpu.dma_semaphore, #tpu.memory_space<semaphore_mem>>
    %dma_start3A_342 = tpu.memref_squeeze %dma_start3A_341 : memref<1x!tpu.dma_semaphore, #tpu.memory_space<semaphore_mem>> -> memref<!tpu.dma_semaphore, #tpu.memory_space<semaphore_mem>>
    %dma_start3A_343 = arith.constant 0 : i32
    %dma_start3A_344 = arith.constant 0 : i32
    %dma_start3A_345 = tpu.memref_slice %arg2[%dma_start3A_339, %dma_start3A_343, %dma_start3A_344] : memref<16x256x2048xf32, #tpu.memory_space<vmem>> -> memref<1x256x2048xf32, #tpu.memory_space<vmem>>
    %dma_start3A_346 = tpu.memref_squeeze %dma_start3A_345 : memref<1x256x2048xf32, #tpu.memory_space<vmem>> -> memref<256x2048xf32, #tpu.memory_space<vmem>>
    %dma_start3A_347 = arith.constant 4864 : i32
    %dma_start3A_348 = arith.constant 0 : i32
    %dma_start3A_349 = tpu.memref_slice %arg0[%dma_start3A_347, %dma_start3A_348] : memref<8192x2048xf32, #tpu.memory_space<any>> -> memref<256x2048xf32, #tpu.memory_space<any>>
    tpu.enqueue_dma source(%dma_start3A_349 : memref<256x2048xf32, #tpu.memory_space<any>>) target(%dma_start3A_346 : memref<256x2048xf32, #tpu.memory_space<vmem>>) target_semaphore(%dma_start3A_342 : memref<!tpu.dma_semaphore, #tpu.memory_space<semaphore_mem>>)
    %dma_wait3A_350 = arith.constant 4 : i32
    %dma_wait3A_351 = arith.constant 4 : i32
    %dma_wait3A_352 = tpu.memref_slice %arg3[%dma_wait3A_351] : memref<16x!tpu.dma_semaphore, #tpu.memory_space<semaphore_mem>> -> memref<1x!tpu.dma_semaphore, #tpu.memory_space<semaphore_mem>>
    %dma_wait3A_353 = tpu.memref_squeeze %dma_wait3A_352 : memref<1x!tpu.dma_semaphore, #tpu.memory_space<semaphore_mem>> -> memref<!tpu.dma_semaphore, #tpu.memory_space<semaphore_mem>>
    %dma_wait3A_354 = arith.constant 0 : i32
    %dma_wait3A_355 = arith.constant 0 : i32
    %dma_wait3A_356 = tpu.memref_slice %arg2[%dma_wait3A_350, %dma_wait3A_354, %dma_wait3A_355] : memref<16x256x2048xf32, #tpu.memory_space<vmem>> -> memref<1x256x2048xf32, #tpu.memory_space<vmem>>
    %dma_wait3A_357 = tpu.memref_squeeze %dma_wait3A_356 : memref<1x256x2048xf32, #tpu.memory_space<vmem>> -> memref<256x2048xf32, #tpu.memory_space<vmem>>
    %dma_wait3A_358 = arith.constant 1024 : i32
    %dma_wait3A_359 = arith.constant 0 : i32
    %dma_wait3A_360 = tpu.memref_slice %arg0[%dma_wait3A_358, %dma_wait3A_359] : memref<8192x2048xf32, #tpu.memory_space<any>> -> memref<256x2048xf32, #tpu.memory_space<any>>
    tpu.wait_dma2 semaphore(%dma_wait3A_353 : memref<!tpu.dma_semaphore, #tpu.memory_space<semaphore_mem>>) src(%dma_wait3A_360 : memref<256x2048xf32, #tpu.memory_space<any>>) dst(%dma_wait3A_357 : memref<256x2048xf32, #tpu.memory_space<vmem>>)
    %dma_start3A_361 = arith.constant 4 : i32
    %dma_start3A_362 = arith.constant 4 : i32
    %dma_start3A_363 = tpu.memref_slice %arg4[%dma_start3A_362] : memref<16x!tpu.dma_semaphore, #tpu.memory_space<semaphore_mem>> -> memref<1x!tpu.dma_semaphore, #tpu.memory_space<semaphore_mem>>
    %dma_start3A_364 = tpu.memref_squeeze %dma_start3A_363 : memref<1x!tpu.dma_semaphore, #tpu.memory_space<semaphore_mem>> -> memref<!tpu.dma_semaphore, #tpu.memory_space<semaphore_mem>>
    %dma_start3A_365 = arith.constant 1024 : i32
    %dma_start3A_366 = arith.constant 0 : i32
    %dma_start3A_367 = tpu.memref_slice %arg1[%dma_start3A_365, %dma_start3A_366] : memref<5120x2048xf32, #tpu.memory_space<any>> -> memref<256x2048xf32, #tpu.memory_space<any>>
    %dma_start3A_368 = arith.constant 0 : i32
    %dma_start3A_369 = arith.constant 0 : i32
    %dma_start3A_370 = tpu.memref_slice %arg2[%dma_start3A_361, %dma_start3A_368, %dma_start3A_369] : memref<16x256x2048xf32, #tpu.memory_space<vmem>> -> memref<1x256x2048xf32, #tpu.memory_space<vmem>>
    %dma_start3A_371 = tpu.memref_squeeze %dma_start3A_370 : memref<1x256x2048xf32, #tpu.memory_space<vmem>> -> memref<256x2048xf32, #tpu.memory_space<vmem>>
    tpu.enqueue_dma source(%dma_start3A_371 : memref<256x2048xf32, #tpu.memory_space<vmem>>) target(%dma_start3A_367 : memref<256x2048xf32, #tpu.memory_space<any>>) target_semaphore(%dma_start3A_364 : memref<!tpu.dma_semaphore, #tpu.memory_space<semaphore_mem>>)
    %dma_wait3A_372 = arith.constant 5 : i32
    %dma_wait3A_373 = arith.constant 5 : i32
    %dma_wait3A_374 = tpu.memref_slice %arg3[%dma_wait3A_373] : memref<16x!tpu.dma_semaphore, #tpu.memory_space<semaphore_mem>> -> memref<1x!tpu.dma_semaphore, #tpu.memory_space<semaphore_mem>>
    %dma_wait3A_375 = tpu.memref_squeeze %dma_wait3A_374 : memref<1x!tpu.dma_semaphore, #tpu.memory_space<semaphore_mem>> -> memref<!tpu.dma_semaphore, #tpu.memory_space<semaphore_mem>>
    %dma_wait3A_376 = arith.constant 0 : i32
    %dma_wait3A_377 = arith.constant 0 : i32
    %dma_wait3A_378 = tpu.memref_slice %arg2[%dma_wait3A_372, %dma_wait3A_376, %dma_wait3A_377] : memref<16x256x2048xf32, #tpu.memory_space<vmem>> -> memref<1x256x2048xf32, #tpu.memory_space<vmem>>
    %dma_wait3A_379 = tpu.memref_squeeze %dma_wait3A_378 : memref<1x256x2048xf32, #tpu.memory_space<vmem>> -> memref<256x2048xf32, #tpu.memory_space<vmem>>
    %dma_wait3A_380 = arith.constant 1280 : i32
    %dma_wait3A_381 = arith.constant 0 : i32
    %dma_wait3A_382 = tpu.memref_slice %arg0[%dma_wait3A_380, %dma_wait3A_381] : memref<8192x2048xf32, #tpu.memory_space<any>> -> memref<256x2048xf32, #tpu.memory_space<any>>
    tpu.wait_dma2 semaphore(%dma_wait3A_375 : memref<!tpu.dma_semaphore, #tpu.memory_space<semaphore_mem>>) src(%dma_wait3A_382 : memref<256x2048xf32, #tpu.memory_space<any>>) dst(%dma_wait3A_379 : memref<256x2048xf32, #tpu.memory_space<vmem>>)
    %dma_start3A_383 = arith.constant 5 : i32
    %dma_start3A_384 = arith.constant 5 : i32
    %dma_start3A_385 = tpu.memref_slice %arg4[%dma_start3A_384] : memref<16x!tpu.dma_semaphore, #tpu.memory_space<semaphore_mem>> -> memref<1x!tpu.dma_semaphore, #tpu.memory_space<semaphore_mem>>
    %dma_start3A_386 = tpu.memref_squeeze %dma_start3A_385 : memref<1x!tpu.dma_semaphore, #tpu.memory_space<semaphore_mem>> -> memref<!tpu.dma_semaphore, #tpu.memory_space<semaphore_mem>>
    %dma_start3A_387 = arith.constant 1280 : i32
    %dma_start3A_388 = arith.constant 0 : i32
    %dma_start3A_389 = tpu.memref_slice %arg1[%dma_start3A_387, %dma_start3A_388] : memref<5120x2048xf32, #tpu.memory_space<any>> -> memref<256x2048xf32, #tpu.memory_space<any>>
    %dma_start3A_390 = arith.constant 0 : i32
    %dma_start3A_391 = arith.constant 0 : i32
    %dma_start3A_392 = tpu.memref_slice %arg2[%dma_start3A_383, %dma_start3A_390, %dma_start3A_391] : memref<16x256x2048xf32, #tpu.memory_space<vmem>> -> memref<1x256x2048xf32, #tpu.memory_space<vmem>>
    %dma_start3A_393 = tpu.memref_squeeze %dma_start3A_392 : memref<1x256x2048xf32, #tpu.memory_space<vmem>> -> memref<256x2048xf32, #tpu.memory_space<vmem>>
    tpu.enqueue_dma source(%dma_start3A_393 : memref<256x2048xf32, #tpu.memory_space<vmem>>) target(%dma_start3A_389 : memref<256x2048xf32, #tpu.memory_space<any>>) target_semaphore(%dma_start3A_386 : memref<!tpu.dma_semaphore, #tpu.memory_space<semaphore_mem>>)
    %dma_wait3A_394 = arith.constant 6 : i32
    %dma_wait3A_395 = arith.constant 6 : i32
    %dma_wait3A_396 = tpu.memref_slice %arg3[%dma_wait3A_395] : memref<16x!tpu.dma_semaphore, #tpu.memory_space<semaphore_mem>> -> memref<1x!tpu.dma_semaphore, #tpu.memory_space<semaphore_mem>>
    %dma_wait3A_397 = tpu.memref_squeeze %dma_wait3A_396 : memref<1x!tpu.dma_semaphore, #tpu.memory_space<semaphore_mem>> -> memref<!tpu.dma_semaphore, #tpu.memory_space<semaphore_mem>>
    %dma_wait3A_398 = arith.constant 0 : i32
    %dma_wait3A_399 = arith.constant 0 : i32
    %dma_wait3A_400 = tpu.memref_slice %arg2[%dma_wait3A_394, %dma_wait3A_398, %dma_wait3A_399] : memref<16x256x2048xf32, #tpu.memory_space<vmem>> -> memref<1x256x2048xf32, #tpu.memory_space<vmem>>
    %dma_wait3A_401 = tpu.memref_squeeze %dma_wait3A_400 : memref<1x256x2048xf32, #tpu.memory_space<vmem>> -> memref<256x2048xf32, #tpu.memory_space<vmem>>
    %dma_wait3A_402 = arith.constant 1536 : i32
    %dma_wait3A_403 = arith.constant 0 : i32
    %dma_wait3A_404 = tpu.memref_slice %arg0[%dma_wait3A_402, %dma_wait3A_403] : memref<8192x2048xf32, #tpu.memory_space<any>> -> memref<256x2048xf32, #tpu.memory_space<any>>
    tpu.wait_dma2 semaphore(%dma_wait3A_397 : memref<!tpu.dma_semaphore, #tpu.memory_space<semaphore_mem>>) src(%dma_wait3A_404 : memref<256x2048xf32, #tpu.memory_space<any>>) dst(%dma_wait3A_401 : memref<256x2048xf32, #tpu.memory_space<vmem>>)
    %dma_start3A_405 = arith.constant 6 : i32
    %dma_start3A_406 = arith.constant 6 : i32
    %dma_start3A_407 = tpu.memref_slice %arg4[%dma_start3A_406] : memref<16x!tpu.dma_semaphore, #tpu.memory_space<semaphore_mem>> -> memref<1x!tpu.dma_semaphore, #tpu.memory_space<semaphore_mem>>
    %dma_start3A_408 = tpu.memref_squeeze %dma_start3A_407 : memref<1x!tpu.dma_semaphore, #tpu.memory_space<semaphore_mem>> -> memref<!tpu.dma_semaphore, #tpu.memory_space<semaphore_mem>>
    %dma_start3A_409 = arith.constant 1536 : i32
    %dma_start3A_410 = arith.constant 0 : i32
    %dma_start3A_411 = tpu.memref_slice %arg1[%dma_start3A_409, %dma_start3A_410] : memref<5120x2048xf32, #tpu.memory_space<any>> -> memref<256x2048xf32, #tpu.memory_space<any>>
    %dma_start3A_412 = arith.constant 0 : i32
    %dma_start3A_413 = arith.constant 0 : i32
    %dma_start3A_414 = tpu.memref_slice %arg2[%dma_start3A_405, %dma_start3A_412, %dma_start3A_413] : memref<16x256x2048xf32, #tpu.memory_space<vmem>> -> memref<1x256x2048xf32, #tpu.memory_space<vmem>>
    %dma_start3A_415 = tpu.memref_squeeze %dma_start3A_414 : memref<1x256x2048xf32, #tpu.memory_space<vmem>> -> memref<256x2048xf32, #tpu.memory_space<vmem>>
    tpu.enqueue_dma source(%dma_start3A_415 : memref<256x2048xf32, #tpu.memory_space<vmem>>) target(%dma_start3A_411 : memref<256x2048xf32, #tpu.memory_space<any>>) target_semaphore(%dma_start3A_408 : memref<!tpu.dma_semaphore, #tpu.memory_space<semaphore_mem>>)
    %dma_wait3A_416 = arith.constant 7 : i32
    %dma_wait3A_417 = arith.constant 7 : i32
    %dma_wait3A_418 = tpu.memref_slice %arg3[%dma_wait3A_417] : memref<16x!tpu.dma_semaphore, #tpu.memory_space<semaphore_mem>> -> memref<1x!tpu.dma_semaphore, #tpu.memory_space<semaphore_mem>>
    %dma_wait3A_419 = tpu.memref_squeeze %dma_wait3A_418 : memref<1x!tpu.dma_semaphore, #tpu.memory_space<semaphore_mem>> -> memref<!tpu.dma_semaphore, #tpu.memory_space<semaphore_mem>>
    %dma_wait3A_420 = arith.constant 0 : i32
    %dma_wait3A_421 = arith.constant 0 : i32
    %dma_wait3A_422 = tpu.memref_slice %arg2[%dma_wait3A_416, %dma_wait3A_420, %dma_wait3A_421] : memref<16x256x2048xf32, #tpu.memory_space<vmem>> -> memref<1x256x2048xf32, #tpu.memory_space<vmem>>
    %dma_wait3A_423 = tpu.memref_squeeze %dma_wait3A_422 : memref<1x256x2048xf32, #tpu.memory_space<vmem>> -> memref<256x2048xf32, #tpu.memory_space<vmem>>
    %dma_wait3A_424 = arith.constant 1792 : i32
    %dma_wait3A_425 = arith.constant 0 : i32
    %dma_wait3A_426 = tpu.memref_slice %arg0[%dma_wait3A_424, %dma_wait3A_425] : memref<8192x2048xf32, #tpu.memory_space<any>> -> memref<256x2048xf32, #tpu.memory_space<any>>
    tpu.wait_dma2 semaphore(%dma_wait3A_419 : memref<!tpu.dma_semaphore, #tpu.memory_space<semaphore_mem>>) src(%dma_wait3A_426 : memref<256x2048xf32, #tpu.memory_space<any>>) dst(%dma_wait3A_423 : memref<256x2048xf32, #tpu.memory_space<vmem>>)
    %dma_start3A_427 = arith.constant 7 : i32
    %dma_start3A_428 = arith.constant 7 : i32
    %dma_start3A_429 = tpu.memref_slice %arg4[%dma_start3A_428] : memref<16x!tpu.dma_semaphore, #tpu.memory_space<semaphore_mem>> -> memref<1x!tpu.dma_semaphore, #tpu.memory_space<semaphore_mem>>
    %dma_start3A_430 = tpu.memref_squeeze %dma_start3A_429 : memref<1x!tpu.dma_semaphore, #tpu.memory_space<semaphore_mem>> -> memref<!tpu.dma_semaphore, #tpu.memory_space<semaphore_mem>>
    %dma_start3A_431 = arith.constant 1792 : i32
    %dma_start3A_432 = arith.constant 0 : i32
    %dma_start3A_433 = tpu.memref_slice %arg1[%dma_start3A_431, %dma_start3A_432] : memref<5120x2048xf32, #tpu.memory_space<any>> -> memref<256x2048xf32, #tpu.memory_space<any>>
    %dma_start3A_434 = arith.constant 0 : i32
    %dma_start3A_435 = arith.constant 0 : i32
    %dma_start3A_436 = tpu.memref_slice %arg2[%dma_start3A_427, %dma_start3A_434, %dma_start3A_435] : memref<16x256x2048xf32, #tpu.memory_space<vmem>> -> memref<1x256x2048xf32, #tpu.memory_space<vmem>>
    %dma_start3A_437 = tpu.memref_squeeze %dma_start3A_436 : memref<1x256x2048xf32, #tpu.memory_space<vmem>> -> memref<256x2048xf32, #tpu.memory_space<vmem>>
    tpu.enqueue_dma source(%dma_start3A_437 : memref<256x2048xf32, #tpu.memory_space<vmem>>) target(%dma_start3A_433 : memref<256x2048xf32, #tpu.memory_space<any>>) target_semaphore(%dma_start3A_430 : memref<!tpu.dma_semaphore, #tpu.memory_space<semaphore_mem>>)
    %dma_wait3A_438 = arith.constant 8 : i32
    %dma_wait3A_439 = arith.constant 8 : i32
    %dma_wait3A_440 = tpu.memref_slice %arg3[%dma_wait3A_439] : memref<16x!tpu.dma_semaphore, #tpu.memory_space<semaphore_mem>> -> memref<1x!tpu.dma_semaphore, #tpu.memory_space<semaphore_mem>>
    %dma_wait3A_441 = tpu.memref_squeeze %dma_wait3A_440 : memref<1x!tpu.dma_semaphore, #tpu.memory_space<semaphore_mem>> -> memref<!tpu.dma_semaphore, #tpu.memory_space<semaphore_mem>>
    %dma_wait3A_442 = arith.constant 0 : i32
    %dma_wait3A_443 = arith.constant 0 : i32
    %dma_wait3A_444 = tpu.memref_slice %arg2[%dma_wait3A_438, %dma_wait3A_442, %dma_wait3A_443] : memref<16x256x2048xf32, #tpu.memory_space<vmem>> -> memref<1x256x2048xf32, #tpu.memory_space<vmem>>
    %dma_wait3A_445 = tpu.memref_squeeze %dma_wait3A_444 : memref<1x256x2048xf32, #tpu.memory_space<vmem>> -> memref<256x2048xf32, #tpu.memory_space<vmem>>
    %dma_wait3A_446 = arith.constant 2048 : i32
    %dma_wait3A_447 = arith.constant 0 : i32
    %dma_wait3A_448 = tpu.memref_slice %arg0[%dma_wait3A_446, %dma_wait3A_447] : memref<8192x2048xf32, #tpu.memory_space<any>> -> memref<256x2048xf32, #tpu.memory_space<any>>
    tpu.wait_dma2 semaphore(%dma_wait3A_441 : memref<!tpu.dma_semaphore, #tpu.memory_space<semaphore_mem>>) src(%dma_wait3A_448 : memref<256x2048xf32, #tpu.memory_space<any>>) dst(%dma_wait3A_445 : memref<256x2048xf32, #tpu.memory_space<vmem>>)
    %dma_start3A_449 = arith.constant 8 : i32
    %dma_start3A_450 = arith.constant 8 : i32
    %dma_start3A_451 = tpu.memref_slice %arg4[%dma_start3A_450] : memref<16x!tpu.dma_semaphore, #tpu.memory_space<semaphore_mem>> -> memref<1x!tpu.dma_semaphore, #tpu.memory_space<semaphore_mem>>
    %dma_start3A_452 = tpu.memref_squeeze %dma_start3A_451 : memref<1x!tpu.dma_semaphore, #tpu.memory_space<semaphore_mem>> -> memref<!tpu.dma_semaphore, #tpu.memory_space<semaphore_mem>>
    %dma_start3A_453 = arith.constant 2048 : i32
    %dma_start3A_454 = arith.constant 0 : i32
    %dma_start3A_455 = tpu.memref_slice %arg1[%dma_start3A_453, %dma_start3A_454] : memref<5120x2048xf32, #tpu.memory_space<any>> -> memref<256x2048xf32, #tpu.memory_space<any>>
    %dma_start3A_456 = arith.constant 0 : i32
    %dma_start3A_457 = arith.constant 0 : i32
    %dma_start3A_458 = tpu.memref_slice %arg2[%dma_start3A_449, %dma_start3A_456, %dma_start3A_457] : memref<16x256x2048xf32, #tpu.memory_space<vmem>> -> memref<1x256x2048xf32, #tpu.memory_space<vmem>>
    %dma_start3A_459 = tpu.memref_squeeze %dma_start3A_458 : memref<1x256x2048xf32, #tpu.memory_space<vmem>> -> memref<256x2048xf32, #tpu.memory_space<vmem>>
    tpu.enqueue_dma source(%dma_start3A_459 : memref<256x2048xf32, #tpu.memory_space<vmem>>) target(%dma_start3A_455 : memref<256x2048xf32, #tpu.memory_space<any>>) target_semaphore(%dma_start3A_452 : memref<!tpu.dma_semaphore, #tpu.memory_space<semaphore_mem>>)
    %dma_wait3A_460 = arith.constant 9 : i32
    %dma_wait3A_461 = arith.constant 9 : i32
    %dma_wait3A_462 = tpu.memref_slice %arg3[%dma_wait3A_461] : memref<16x!tpu.dma_semaphore, #tpu.memory_space<semaphore_mem>> -> memref<1x!tpu.dma_semaphore, #tpu.memory_space<semaphore_mem>>
    %dma_wait3A_463 = tpu.memref_squeeze %dma_wait3A_462 : memref<1x!tpu.dma_semaphore, #tpu.memory_space<semaphore_mem>> -> memref<!tpu.dma_semaphore, #tpu.memory_space<semaphore_mem>>
    %dma_wait3A_464 = arith.constant 0 : i32
    %dma_wait3A_465 = arith.constant 0 : i32
    %dma_wait3A_466 = tpu.memref_slice %arg2[%dma_wait3A_460, %dma_wait3A_464, %dma_wait3A_465] : memref<16x256x2048xf32, #tpu.memory_space<vmem>> -> memref<1x256x2048xf32, #tpu.memory_space<vmem>>
    %dma_wait3A_467 = tpu.memref_squeeze %dma_wait3A_466 : memref<1x256x2048xf32, #tpu.memory_space<vmem>> -> memref<256x2048xf32, #tpu.memory_space<vmem>>
    %dma_wait3A_468 = arith.constant 2304 : i32
    %dma_wait3A_469 = arith.constant 0 : i32
    %dma_wait3A_470 = tpu.memref_slice %arg0[%dma_wait3A_468, %dma_wait3A_469] : memref<8192x2048xf32, #tpu.memory_space<any>> -> memref<256x2048xf32, #tpu.memory_space<any>>
    tpu.wait_dma2 semaphore(%dma_wait3A_463 : memref<!tpu.dma_semaphore, #tpu.memory_space<semaphore_mem>>) src(%dma_wait3A_470 : memref<256x2048xf32, #tpu.memory_space<any>>) dst(%dma_wait3A_467 : memref<256x2048xf32, #tpu.memory_space<vmem>>)
    %dma_start3A_471 = arith.constant 9 : i32
    %dma_start3A_472 = arith.constant 9 : i32
    %dma_start3A_473 = tpu.memref_slice %arg4[%dma_start3A_472] : memref<16x!tpu.dma_semaphore, #tpu.memory_space<semaphore_mem>> -> memref<1x!tpu.dma_semaphore, #tpu.memory_space<semaphore_mem>>
    %dma_start3A_474 = tpu.memref_squeeze %dma_start3A_473 : memref<1x!tpu.dma_semaphore, #tpu.memory_space<semaphore_mem>> -> memref<!tpu.dma_semaphore, #tpu.memory_space<semaphore_mem>>
    %dma_start3A_475 = arith.constant 2304 : i32
    %dma_start3A_476 = arith.constant 0 : i32
    %dma_start3A_477 = tpu.memref_slice %arg1[%dma_start3A_475, %dma_start3A_476] : memref<5120x2048xf32, #tpu.memory_space<any>> -> memref<256x2048xf32, #tpu.memory_space<any>>
    %dma_start3A_478 = arith.constant 0 : i32
    %dma_start3A_479 = arith.constant 0 : i32
    %dma_start3A_480 = tpu.memref_slice %arg2[%dma_start3A_471, %dma_start3A_478, %dma_start3A_479] : memref<16x256x2048xf32, #tpu.memory_space<vmem>> -> memref<1x256x2048xf32, #tpu.memory_space<vmem>>
    %dma_start3A_481 = tpu.memref_squeeze %dma_start3A_480 : memref<1x256x2048xf32, #tpu.memory_space<vmem>> -> memref<256x2048xf32, #tpu.memory_space<vmem>>
    tpu.enqueue_dma source(%dma_start3A_481 : memref<256x2048xf32, #tpu.memory_space<vmem>>) target(%dma_start3A_477 : memref<256x2048xf32, #tpu.memory_space<any>>) target_semaphore(%dma_start3A_474 : memref<!tpu.dma_semaphore, #tpu.memory_space<semaphore_mem>>)
    %dma_wait3A_482 = arith.constant 10 : i32
    %dma_wait3A_483 = arith.constant 10 : i32
    %dma_wait3A_484 = tpu.memref_slice %arg3[%dma_wait3A_483] : memref<16x!tpu.dma_semaphore, #tpu.memory_space<semaphore_mem>> -> memref<1x!tpu.dma_semaphore, #tpu.memory_space<semaphore_mem>>
    %dma_wait3A_485 = tpu.memref_squeeze %dma_wait3A_484 : memref<1x!tpu.dma_semaphore, #tpu.memory_space<semaphore_mem>> -> memref<!tpu.dma_semaphore, #tpu.memory_space<semaphore_mem>>
    %dma_wait3A_486 = arith.constant 0 : i32
    %dma_wait3A_487 = arith.constant 0 : i32
    %dma_wait3A_488 = tpu.memref_slice %arg2[%dma_wait3A_482, %dma_wait3A_486, %dma_wait3A_487] : memref<16x256x2048xf32, #tpu.memory_space<vmem>> -> memref<1x256x2048xf32, #tpu.memory_space<vmem>>
    %dma_wait3A_489 = tpu.memref_squeeze %dma_wait3A_488 : memref<1x256x2048xf32, #tpu.memory_space<vmem>> -> memref<256x2048xf32, #tpu.memory_space<vmem>>
    %dma_wait3A_490 = arith.constant 2560 : i32
    %dma_wait3A_491 = arith.constant 0 : i32
    %dma_wait3A_492 = tpu.memref_slice %arg0[%dma_wait3A_490, %dma_wait3A_491] : memref<8192x2048xf32, #tpu.memory_space<any>> -> memref<256x2048xf32, #tpu.memory_space<any>>
    tpu.wait_dma2 semaphore(%dma_wait3A_485 : memref<!tpu.dma_semaphore, #tpu.memory_space<semaphore_mem>>) src(%dma_wait3A_492 : memref<256x2048xf32, #tpu.memory_space<any>>) dst(%dma_wait3A_489 : memref<256x2048xf32, #tpu.memory_space<vmem>>)
    %dma_start3A_493 = arith.constant 10 : i32
    %dma_start3A_494 = arith.constant 10 : i32
    %dma_start3A_495 = tpu.memref_slice %arg4[%dma_start3A_494] : memref<16x!tpu.dma_semaphore, #tpu.memory_space<semaphore_mem>> -> memref<1x!tpu.dma_semaphore, #tpu.memory_space<semaphore_mem>>
    %dma_start3A_496 = tpu.memref_squeeze %dma_start3A_495 : memref<1x!tpu.dma_semaphore, #tpu.memory_space<semaphore_mem>> -> memref<!tpu.dma_semaphore, #tpu.memory_space<semaphore_mem>>
    %dma_start3A_497 = arith.constant 2560 : i32
    %dma_start3A_498 = arith.constant 0 : i32
    %dma_start3A_499 = tpu.memref_slice %arg1[%dma_start3A_497, %dma_start3A_498] : memref<5120x2048xf32, #tpu.memory_space<any>> -> memref<256x2048xf32, #tpu.memory_space<any>>
    %dma_start3A_500 = arith.constant 0 : i32
    %dma_start3A_501 = arith.constant 0 : i32
    %dma_start3A_502 = tpu.memref_slice %arg2[%dma_start3A_493, %dma_start3A_500, %dma_start3A_501] : memref<16x256x2048xf32, #tpu.memory_space<vmem>> -> memref<1x256x2048xf32, #tpu.memory_space<vmem>>
    %dma_start3A_503 = tpu.memref_squeeze %dma_start3A_502 : memref<1x256x2048xf32, #tpu.memory_space<vmem>> -> memref<256x2048xf32, #tpu.memory_space<vmem>>
    tpu.enqueue_dma source(%dma_start3A_503 : memref<256x2048xf32, #tpu.memory_space<vmem>>) target(%dma_start3A_499 : memref<256x2048xf32, #tpu.memory_space<any>>) target_semaphore(%dma_start3A_496 : memref<!tpu.dma_semaphore, #tpu.memory_space<semaphore_mem>>)
    %dma_wait3A_504 = arith.constant 11 : i32
    %dma_wait3A_505 = arith.constant 11 : i32
    %dma_wait3A_506 = tpu.memref_slice %arg3[%dma_wait3A_505] : memref<16x!tpu.dma_semaphore, #tpu.memory_space<semaphore_mem>> -> memref<1x!tpu.dma_semaphore, #tpu.memory_space<semaphore_mem>>
    %dma_wait3A_507 = tpu.memref_squeeze %dma_wait3A_506 : memref<1x!tpu.dma_semaphore, #tpu.memory_space<semaphore_mem>> -> memref<!tpu.dma_semaphore, #tpu.memory_space<semaphore_mem>>
    %dma_wait3A_508 = arith.constant 0 : i32
    %dma_wait3A_509 = arith.constant 0 : i32
    %dma_wait3A_510 = tpu.memref_slice %arg2[%dma_wait3A_504, %dma_wait3A_508, %dma_wait3A_509] : memref<16x256x2048xf32, #tpu.memory_space<vmem>> -> memref<1x256x2048xf32, #tpu.memory_space<vmem>>
    %dma_wait3A_511 = tpu.memref_squeeze %dma_wait3A_510 : memref<1x256x2048xf32, #tpu.memory_space<vmem>> -> memref<256x2048xf32, #tpu.memory_space<vmem>>
    %dma_wait3A_512 = arith.constant 2816 : i32
    %dma_wait3A_513 = arith.constant 0 : i32
    %dma_wait3A_514 = tpu.memref_slice %arg0[%dma_wait3A_512, %dma_wait3A_513] : memref<8192x2048xf32, #tpu.memory_space<any>> -> memref<256x2048xf32, #tpu.memory_space<any>>
    tpu.wait_dma2 semaphore(%dma_wait3A_507 : memref<!tpu.dma_semaphore, #tpu.memory_space<semaphore_mem>>) src(%dma_wait3A_514 : memref<256x2048xf32, #tpu.memory_space<any>>) dst(%dma_wait3A_511 : memref<256x2048xf32, #tpu.memory_space<vmem>>)
    %dma_start3A_515 = arith.constant 11 : i32
    %dma_start3A_516 = arith.constant 11 : i32
    %dma_start3A_517 = tpu.memref_slice %arg4[%dma_start3A_516] : memref<16x!tpu.dma_semaphore, #tpu.memory_space<semaphore_mem>> -> memref<1x!tpu.dma_semaphore, #tpu.memory_space<semaphore_mem>>
    %dma_start3A_518 = tpu.memref_squeeze %dma_start3A_517 : memref<1x!tpu.dma_semaphore, #tpu.memory_space<semaphore_mem>> -> memref<!tpu.dma_semaphore, #tpu.memory_space<semaphore_mem>>
    %dma_start3A_519 = arith.constant 2816 : i32
    %dma_start3A_520 = arith.constant 0 : i32
    %dma_start3A_521 = tpu.memref_slice %arg1[%dma_start3A_519, %dma_start3A_520] : memref<5120x2048xf32, #tpu.memory_space<any>> -> memref<256x2048xf32, #tpu.memory_space<any>>
    %dma_start3A_522 = arith.constant 0 : i32
    %dma_start3A_523 = arith.constant 0 : i32
    %dma_start3A_524 = tpu.memref_slice %arg2[%dma_start3A_515, %dma_start3A_522, %dma_start3A_523] : memref<16x256x2048xf32, #tpu.memory_space<vmem>> -> memref<1x256x2048xf32, #tpu.memory_space<vmem>>
    %dma_start3A_525 = tpu.memref_squeeze %dma_start3A_524 : memref<1x256x2048xf32, #tpu.memory_space<vmem>> -> memref<256x2048xf32, #tpu.memory_space<vmem>>
    tpu.enqueue_dma source(%dma_start3A_525 : memref<256x2048xf32, #tpu.memory_space<vmem>>) target(%dma_start3A_521 : memref<256x2048xf32, #tpu.memory_space<any>>) target_semaphore(%dma_start3A_518 : memref<!tpu.dma_semaphore, #tpu.memory_space<semaphore_mem>>)
    %dma_wait3A_526 = arith.constant 12 : i32
    %dma_wait3A_527 = arith.constant 12 : i32
    %dma_wait3A_528 = tpu.memref_slice %arg3[%dma_wait3A_527] : memref<16x!tpu.dma_semaphore, #tpu.memory_space<semaphore_mem>> -> memref<1x!tpu.dma_semaphore, #tpu.memory_space<semaphore_mem>>
    %dma_wait3A_529 = tpu.memref_squeeze %dma_wait3A_528 : memref<1x!tpu.dma_semaphore, #tpu.memory_space<semaphore_mem>> -> memref<!tpu.dma_semaphore, #tpu.memory_space<semaphore_mem>>
    %dma_wait3A_530 = arith.constant 0 : i32
    %dma_wait3A_531 = arith.constant 0 : i32
    %dma_wait3A_532 = tpu.memref_slice %arg2[%dma_wait3A_526, %dma_wait3A_530, %dma_wait3A_531] : memref<16x256x2048xf32, #tpu.memory_space<vmem>> -> memref<1x256x2048xf32, #tpu.memory_space<vmem>>
    %dma_wait3A_533 = tpu.memref_squeeze %dma_wait3A_532 : memref<1x256x2048xf32, #tpu.memory_space<vmem>> -> memref<256x2048xf32, #tpu.memory_space<vmem>>
    %dma_wait3A_534 = arith.constant 3072 : i32
    %dma_wait3A_535 = arith.constant 0 : i32
    %dma_wait3A_536 = tpu.memref_slice %arg0[%dma_wait3A_534, %dma_wait3A_535] : memref<8192x2048xf32, #tpu.memory_space<any>> -> memref<256x2048xf32, #tpu.memory_space<any>>
    tpu.wait_dma2 semaphore(%dma_wait3A_529 : memref<!tpu.dma_semaphore, #tpu.memory_space<semaphore_mem>>) src(%dma_wait3A_536 : memref<256x2048xf32, #tpu.memory_space<any>>) dst(%dma_wait3A_533 : memref<256x2048xf32, #tpu.memory_space<vmem>>)
    %dma_start3A_537 = arith.constant 12 : i32
    %dma_start3A_538 = arith.constant 12 : i32
    %dma_start3A_539 = tpu.memref_slice %arg4[%dma_start3A_538] : memref<16x!tpu.dma_semaphore, #tpu.memory_space<semaphore_mem>> -> memref<1x!tpu.dma_semaphore, #tpu.memory_space<semaphore_mem>>
    %dma_start3A_540 = tpu.memref_squeeze %dma_start3A_539 : memref<1x!tpu.dma_semaphore, #tpu.memory_space<semaphore_mem>> -> memref<!tpu.dma_semaphore, #tpu.memory_space<semaphore_mem>>
    %dma_start3A_541 = arith.constant 3072 : i32
    %dma_start3A_542 = arith.constant 0 : i32
    %dma_start3A_543 = tpu.memref_slice %arg1[%dma_start3A_541, %dma_start3A_542] : memref<5120x2048xf32, #tpu.memory_space<any>> -> memref<256x2048xf32, #tpu.memory_space<any>>
    %dma_start3A_544 = arith.constant 0 : i32
    %dma_start3A_545 = arith.constant 0 : i32
    %dma_start3A_546 = tpu.memref_slice %arg2[%dma_start3A_537, %dma_start3A_544, %dma_start3A_545] : memref<16x256x2048xf32, #tpu.memory_space<vmem>> -> memref<1x256x2048xf32, #tpu.memory_space<vmem>>
    %dma_start3A_547 = tpu.memref_squeeze %dma_start3A_546 : memref<1x256x2048xf32, #tpu.memory_space<vmem>> -> memref<256x2048xf32, #tpu.memory_space<vmem>>
    tpu.enqueue_dma source(%dma_start3A_547 : memref<256x2048xf32, #tpu.memory_space<vmem>>) target(%dma_start3A_543 : memref<256x2048xf32, #tpu.memory_space<any>>) target_semaphore(%dma_start3A_540 : memref<!tpu.dma_semaphore, #tpu.memory_space<semaphore_mem>>)
    %dma_wait3A_548 = arith.constant 13 : i32
    %dma_wait3A_549 = arith.constant 13 : i32
    %dma_wait3A_550 = tpu.memref_slice %arg3[%dma_wait3A_549] : memref<16x!tpu.dma_semaphore, #tpu.memory_space<semaphore_mem>> -> memref<1x!tpu.dma_semaphore, #tpu.memory_space<semaphore_mem>>
    %dma_wait3A_551 = tpu.memref_squeeze %dma_wait3A_550 : memref<1x!tpu.dma_semaphore, #tpu.memory_space<semaphore_mem>> -> memref<!tpu.dma_semaphore, #tpu.memory_space<semaphore_mem>>
    %dma_wait3A_552 = arith.constant 0 : i32
    %dma_wait3A_553 = arith.constant 0 : i32
    %dma_wait3A_554 = tpu.memref_slice %arg2[%dma_wait3A_548, %dma_wait3A_552, %dma_wait3A_553] : memref<16x256x2048xf32, #tpu.memory_space<vmem>> -> memref<1x256x2048xf32, #tpu.memory_space<vmem>>
    %dma_wait3A_555 = tpu.memref_squeeze %dma_wait3A_554 : memref<1x256x2048xf32, #tpu.memory_space<vmem>> -> memref<256x2048xf32, #tpu.memory_space<vmem>>
    %dma_wait3A_556 = arith.constant 3328 : i32
    %dma_wait3A_557 = arith.constant 0 : i32
    %dma_wait3A_558 = tpu.memref_slice %arg0[%dma_wait3A_556, %dma_wait3A_557] : memref<8192x2048xf32, #tpu.memory_space<any>> -> memref<256x2048xf32, #tpu.memory_space<any>>
    tpu.wait_dma2 semaphore(%dma_wait3A_551 : memref<!tpu.dma_semaphore, #tpu.memory_space<semaphore_mem>>) src(%dma_wait3A_558 : memref<256x2048xf32, #tpu.memory_space<any>>) dst(%dma_wait3A_555 : memref<256x2048xf32, #tpu.memory_space<vmem>>)
    %dma_start3A_559 = arith.constant 13 : i32
    %dma_start3A_560 = arith.constant 13 : i32
    %dma_start3A_561 = tpu.memref_slice %arg4[%dma_start3A_560] : memref<16x!tpu.dma_semaphore, #tpu.memory_space<semaphore_mem>> -> memref<1x!tpu.dma_semaphore, #tpu.memory_space<semaphore_mem>>
    %dma_start3A_562 = tpu.memref_squeeze %dma_start3A_561 : memref<1x!tpu.dma_semaphore, #tpu.memory_space<semaphore_mem>> -> memref<!tpu.dma_semaphore, #tpu.memory_space<semaphore_mem>>
    %dma_start3A_563 = arith.constant 3328 : i32
    %dma_start3A_564 = arith.constant 0 : i32
    %dma_start3A_565 = tpu.memref_slice %arg1[%dma_start3A_563, %dma_start3A_564] : memref<5120x2048xf32, #tpu.memory_space<any>> -> memref<256x2048xf32, #tpu.memory_space<any>>
    %dma_start3A_566 = arith.constant 0 : i32
    %dma_start3A_567 = arith.constant 0 : i32
    %dma_start3A_568 = tpu.memref_slice %arg2[%dma_start3A_559, %dma_start3A_566, %dma_start3A_567] : memref<16x256x2048xf32, #tpu.memory_space<vmem>> -> memref<1x256x2048xf32, #tpu.memory_space<vmem>>
    %dma_start3A_569 = tpu.memref_squeeze %dma_start3A_568 : memref<1x256x2048xf32, #tpu.memory_space<vmem>> -> memref<256x2048xf32, #tpu.memory_space<vmem>>
    tpu.enqueue_dma source(%dma_start3A_569 : memref<256x2048xf32, #tpu.memory_space<vmem>>) target(%dma_start3A_565 : memref<256x2048xf32, #tpu.memory_space<any>>) target_semaphore(%dma_start3A_562 : memref<!tpu.dma_semaphore, #tpu.memory_space<semaphore_mem>>)
    %dma_wait3A_570 = arith.constant 14 : i32
    %dma_wait3A_571 = arith.constant 14 : i32
    %dma_wait3A_572 = tpu.memref_slice %arg3[%dma_wait3A_571] : memref<16x!tpu.dma_semaphore, #tpu.memory_space<semaphore_mem>> -> memref<1x!tpu.dma_semaphore, #tpu.memory_space<semaphore_mem>>
    %dma_wait3A_573 = tpu.memref_squeeze %dma_wait3A_572 : memref<1x!tpu.dma_semaphore, #tpu.memory_space<semaphore_mem>> -> memref<!tpu.dma_semaphore, #tpu.memory_space<semaphore_mem>>
    %dma_wait3A_574 = arith.constant 0 : i32
    %dma_wait3A_575 = arith.constant 0 : i32
    %dma_wait3A_576 = tpu.memref_slice %arg2[%dma_wait3A_570, %dma_wait3A_574, %dma_wait3A_575] : memref<16x256x2048xf32, #tpu.memory_space<vmem>> -> memref<1x256x2048xf32, #tpu.memory_space<vmem>>
    %dma_wait3A_577 = tpu.memref_squeeze %dma_wait3A_576 : memref<1x256x2048xf32, #tpu.memory_space<vmem>> -> memref<256x2048xf32, #tpu.memory_space<vmem>>
    %dma_wait3A_578 = arith.constant 3584 : i32
    %dma_wait3A_579 = arith.constant 0 : i32
    %dma_wait3A_580 = tpu.memref_slice %arg0[%dma_wait3A_578, %dma_wait3A_579] : memref<8192x2048xf32, #tpu.memory_space<any>> -> memref<256x2048xf32, #tpu.memory_space<any>>
    tpu.wait_dma2 semaphore(%dma_wait3A_573 : memref<!tpu.dma_semaphore, #tpu.memory_space<semaphore_mem>>) src(%dma_wait3A_580 : memref<256x2048xf32, #tpu.memory_space<any>>) dst(%dma_wait3A_577 : memref<256x2048xf32, #tpu.memory_space<vmem>>)
    %dma_start3A_581 = arith.constant 14 : i32
    %dma_start3A_582 = arith.constant 14 : i32
    %dma_start3A_583 = tpu.memref_slice %arg4[%dma_start3A_582] : memref<16x!tpu.dma_semaphore, #tpu.memory_space<semaphore_mem>> -> memref<1x!tpu.dma_semaphore, #tpu.memory_space<semaphore_mem>>
    %dma_start3A_584 = tpu.memref_squeeze %dma_start3A_583 : memref<1x!tpu.dma_semaphore, #tpu.memory_space<semaphore_mem>> -> memref<!tpu.dma_semaphore, #tpu.memory_space<semaphore_mem>>
    %dma_start3A_585 = arith.constant 3584 : i32
    %dma_start3A_586 = arith.constant 0 : i32
    %dma_start3A_587 = tpu.memref_slice %arg1[%dma_start3A_585, %dma_start3A_586] : memref<5120x2048xf32, #tpu.memory_space<any>> -> memref<256x2048xf32, #tpu.memory_space<any>>
    %dma_start3A_588 = arith.constant 0 : i32
    %dma_start3A_589 = arith.constant 0 : i32
    %dma_start3A_590 = tpu.memref_slice %arg2[%dma_start3A_581, %dma_start3A_588, %dma_start3A_589] : memref<16x256x2048xf32, #tpu.memory_space<vmem>> -> memref<1x256x2048xf32, #tpu.memory_space<vmem>>
    %dma_start3A_591 = tpu.memref_squeeze %dma_start3A_590 : memref<1x256x2048xf32, #tpu.memory_space<vmem>> -> memref<256x2048xf32, #tpu.memory_space<vmem>>
    tpu.enqueue_dma source(%dma_start3A_591 : memref<256x2048xf32, #tpu.memory_space<vmem>>) target(%dma_start3A_587 : memref<256x2048xf32, #tpu.memory_space<any>>) target_semaphore(%dma_start3A_584 : memref<!tpu.dma_semaphore, #tpu.memory_space<semaphore_mem>>)
    %dma_wait3A_592 = arith.constant 15 : i32
    %dma_wait3A_593 = arith.constant 15 : i32
    %dma_wait3A_594 = tpu.memref_slice %arg3[%dma_wait3A_593] : memref<16x!tpu.dma_semaphore, #tpu.memory_space<semaphore_mem>> -> memref<1x!tpu.dma_semaphore, #tpu.memory_space<semaphore_mem>>
    %dma_wait3A_595 = tpu.memref_squeeze %dma_wait3A_594 : memref<1x!tpu.dma_semaphore, #tpu.memory_space<semaphore_mem>> -> memref<!tpu.dma_semaphore, #tpu.memory_space<semaphore_mem>>
    %dma_wait3A_596 = arith.constant 0 : i32
    %dma_wait3A_597 = arith.constant 0 : i32
    %dma_wait3A_598 = tpu.memref_slice %arg2[%dma_wait3A_592, %dma_wait3A_596, %dma_wait3A_597] : memref<16x256x2048xf32, #tpu.memory_space<vmem>> -> memref<1x256x2048xf32, #tpu.memory_space<vmem>>
    %dma_wait3A_599 = tpu.memref_squeeze %dma_wait3A_598 : memref<1x256x2048xf32, #tpu.memory_space<vmem>> -> memref<256x2048xf32, #tpu.memory_space<vmem>>
    %dma_wait3A_600 = arith.constant 3840 : i32
    %dma_wait3A_601 = arith.constant 0 : i32
    %dma_wait3A_602 = tpu.memref_slice %arg0[%dma_wait3A_600, %dma_wait3A_601] : memref<8192x2048xf32, #tpu.memory_space<any>> -> memref<256x2048xf32, #tpu.memory_space<any>>
    tpu.wait_dma2 semaphore(%dma_wait3A_595 : memref<!tpu.dma_semaphore, #tpu.memory_space<semaphore_mem>>) src(%dma_wait3A_602 : memref<256x2048xf32, #tpu.memory_space<any>>) dst(%dma_wait3A_599 : memref<256x2048xf32, #tpu.memory_space<vmem>>)
    %dma_start3A_603 = arith.constant 15 : i32
    %dma_start3A_604 = arith.constant 15 : i32
    %dma_start3A_605 = tpu.memref_slice %arg4[%dma_start3A_604] : memref<16x!tpu.dma_semaphore, #tpu.memory_space<semaphore_mem>> -> memref<1x!tpu.dma_semaphore, #tpu.memory_space<semaphore_mem>>
    %dma_start3A_606 = tpu.memref_squeeze %dma_start3A_605 : memref<1x!tpu.dma_semaphore, #tpu.memory_space<semaphore_mem>> -> memref<!tpu.dma_semaphore, #tpu.memory_space<semaphore_mem>>
    %dma_start3A_607 = arith.constant 3840 : i32
    %dma_start3A_608 = arith.constant 0 : i32
    %dma_start3A_609 = tpu.memref_slice %arg1[%dma_start3A_607, %dma_start3A_608] : memref<5120x2048xf32, #tpu.memory_space<any>> -> memref<256x2048xf32, #tpu.memory_space<any>>
    %dma_start3A_610 = arith.constant 0 : i32
    %dma_start3A_611 = arith.constant 0 : i32
    %dma_start3A_612 = tpu.memref_slice %arg2[%dma_start3A_603, %dma_start3A_610, %dma_start3A_611] : memref<16x256x2048xf32, #tpu.memory_space<vmem>> -> memref<1x256x2048xf32, #tpu.memory_space<vmem>>
    %dma_start3A_613 = tpu.memref_squeeze %dma_start3A_612 : memref<1x256x2048xf32, #tpu.memory_space<vmem>> -> memref<256x2048xf32, #tpu.memory_space<vmem>>
    tpu.enqueue_dma source(%dma_start3A_613 : memref<256x2048xf32, #tpu.memory_space<vmem>>) target(%dma_start3A_609 : memref<256x2048xf32, #tpu.memory_space<any>>) target_semaphore(%dma_start3A_606 : memref<!tpu.dma_semaphore, #tpu.memory_space<semaphore_mem>>)
    %dma_wait3A_614 = arith.constant 0 : i32
    %dma_wait3A_615 = arith.constant 0 : i32
    %dma_wait3A_616 = tpu.memref_slice %arg3[%dma_wait3A_615] : memref<16x!tpu.dma_semaphore, #tpu.memory_space<semaphore_mem>> -> memref<1x!tpu.dma_semaphore, #tpu.memory_space<semaphore_mem>>
    %dma_wait3A_617 = tpu.memref_squeeze %dma_wait3A_616 : memref<1x!tpu.dma_semaphore, #tpu.memory_space<semaphore_mem>> -> memref<!tpu.dma_semaphore, #tpu.memory_space<semaphore_mem>>
    %dma_wait3A_618 = arith.constant 0 : i32
    %dma_wait3A_619 = arith.constant 0 : i32
    %dma_wait3A_620 = tpu.memref_slice %arg2[%dma_wait3A_614, %dma_wait3A_618, %dma_wait3A_619] : memref<16x256x2048xf32, #tpu.memory_space<vmem>> -> memref<1x256x2048xf32, #tpu.memory_space<vmem>>
    %dma_wait3A_621 = tpu.memref_squeeze %dma_wait3A_620 : memref<1x256x2048xf32, #tpu.memory_space<vmem>> -> memref<256x2048xf32, #tpu.memory_space<vmem>>
    %dma_wait3A_622 = arith.constant 4096 : i32
    %dma_wait3A_623 = arith.constant 0 : i32
    %dma_wait3A_624 = tpu.memref_slice %arg0[%dma_wait3A_622, %dma_wait3A_623] : memref<8192x2048xf32, #tpu.memory_space<any>> -> memref<256x2048xf32, #tpu.memory_space<any>>
    tpu.wait_dma2 semaphore(%dma_wait3A_617 : memref<!tpu.dma_semaphore, #tpu.memory_space<semaphore_mem>>) src(%dma_wait3A_624 : memref<256x2048xf32, #tpu.memory_space<any>>) dst(%dma_wait3A_621 : memref<256x2048xf32, #tpu.memory_space<vmem>>)
    %dma_start3A_625 = arith.constant 0 : i32
    %dma_start3A_626 = arith.constant 0 : i32
    %dma_start3A_627 = tpu.memref_slice %arg4[%dma_start3A_626] : memref<16x!tpu.dma_semaphore, #tpu.memory_space<semaphore_mem>> -> memref<1x!tpu.dma_semaphore, #tpu.memory_space<semaphore_mem>>
    %dma_start3A_628 = tpu.memref_squeeze %dma_start3A_627 : memref<1x!tpu.dma_semaphore, #tpu.memory_space<semaphore_mem>> -> memref<!tpu.dma_semaphore, #tpu.memory_space<semaphore_mem>>
    %dma_start3A_629 = arith.constant 4096 : i32
    %dma_start3A_630 = arith.constant 0 : i32
    %dma_start3A_631 = tpu.memref_slice %arg1[%dma_start3A_629, %dma_start3A_630] : memref<5120x2048xf32, #tpu.memory_space<any>> -> memref<256x2048xf32, #tpu.memory_space<any>>
    %dma_start3A_632 = arith.constant 0 : i32
    %dma_start3A_633 = arith.constant 0 : i32
    %dma_start3A_634 = tpu.memref_slice %arg2[%dma_start3A_625, %dma_start3A_632, %dma_start3A_633] : memref<16x256x2048xf32, #tpu.memory_space<vmem>> -> memref<1x256x2048xf32, #tpu.memory_space<vmem>>
    %dma_start3A_635 = tpu.memref_squeeze %dma_start3A_634 : memref<1x256x2048xf32, #tpu.memory_space<vmem>> -> memref<256x2048xf32, #tpu.memory_space<vmem>>
    tpu.enqueue_dma source(%dma_start3A_635 : memref<256x2048xf32, #tpu.memory_space<vmem>>) target(%dma_start3A_631 : memref<256x2048xf32, #tpu.memory_space<any>>) target_semaphore(%dma_start3A_628 : memref<!tpu.dma_semaphore, #tpu.memory_space<semaphore_mem>>)
    %dma_wait3A_636 = arith.constant 1 : i32
    %dma_wait3A_637 = arith.constant 1 : i32
    %dma_wait3A_638 = tpu.memref_slice %arg3[%dma_wait3A_637] : memref<16x!tpu.dma_semaphore, #tpu.memory_space<semaphore_mem>> -> memref<1x!tpu.dma_semaphore, #tpu.memory_space<semaphore_mem>>
    %dma_wait3A_639 = tpu.memref_squeeze %dma_wait3A_638 : memref<1x!tpu.dma_semaphore, #tpu.memory_space<semaphore_mem>> -> memref<!tpu.dma_semaphore, #tpu.memory_space<semaphore_mem>>
    %dma_wait3A_640 = arith.constant 0 : i32
    %dma_wait3A_641 = arith.constant 0 : i32
    %dma_wait3A_642 = tpu.memref_slice %arg2[%dma_wait3A_636, %dma_wait3A_640, %dma_wait3A_641] : memref<16x256x2048xf32, #tpu.memory_space<vmem>> -> memref<1x256x2048xf32, #tpu.memory_space<vmem>>
    %dma_wait3A_643 = tpu.memref_squeeze %dma_wait3A_642 : memref<1x256x2048xf32, #tpu.memory_space<vmem>> -> memref<256x2048xf32, #tpu.memory_space<vmem>>
    %dma_wait3A_644 = arith.constant 4352 : i32
    %dma_wait3A_645 = arith.constant 0 : i32
    %dma_wait3A_646 = tpu.memref_slice %arg0[%dma_wait3A_644, %dma_wait3A_645] : memref<8192x2048xf32, #tpu.memory_space<any>> -> memref<256x2048xf32, #tpu.memory_space<any>>
    tpu.wait_dma2 semaphore(%dma_wait3A_639 : memref<!tpu.dma_semaphore, #tpu.memory_space<semaphore_mem>>) src(%dma_wait3A_646 : memref<256x2048xf32, #tpu.memory_space<any>>) dst(%dma_wait3A_643 : memref<256x2048xf32, #tpu.memory_space<vmem>>)
    %dma_start3A_647 = arith.constant 1 : i32
    %dma_start3A_648 = arith.constant 1 : i32
    %dma_start3A_649 = tpu.memref_slice %arg4[%dma_start3A_648] : memref<16x!tpu.dma_semaphore, #tpu.memory_space<semaphore_mem>> -> memref<1x!tpu.dma_semaphore, #tpu.memory_space<semaphore_mem>>
    %dma_start3A_650 = tpu.memref_squeeze %dma_start3A_649 : memref<1x!tpu.dma_semaphore, #tpu.memory_space<semaphore_mem>> -> memref<!tpu.dma_semaphore, #tpu.memory_space<semaphore_mem>>
    %dma_start3A_651 = arith.constant 4352 : i32
    %dma_start3A_652 = arith.constant 0 : i32
    %dma_start3A_653 = tpu.memref_slice %arg1[%dma_start3A_651, %dma_start3A_652] : memref<5120x2048xf32, #tpu.memory_space<any>> -> memref<256x2048xf32, #tpu.memory_space<any>>
    %dma_start3A_654 = arith.constant 0 : i32
    %dma_start3A_655 = arith.constant 0 : i32
    %dma_start3A_656 = tpu.memref_slice %arg2[%dma_start3A_647, %dma_start3A_654, %dma_start3A_655] : memref<16x256x2048xf32, #tpu.memory_space<vmem>> -> memref<1x256x2048xf32, #tpu.memory_space<vmem>>
    %dma_start3A_657 = tpu.memref_squeeze %dma_start3A_656 : memref<1x256x2048xf32, #tpu.memory_space<vmem>> -> memref<256x2048xf32, #tpu.memory_space<vmem>>
    tpu.enqueue_dma source(%dma_start3A_657 : memref<256x2048xf32, #tpu.memory_space<vmem>>) target(%dma_start3A_653 : memref<256x2048xf32, #tpu.memory_space<any>>) target_semaphore(%dma_start3A_650 : memref<!tpu.dma_semaphore, #tpu.memory_space<semaphore_mem>>)
    %dma_wait3A_658 = arith.constant 2 : i32
    %dma_wait3A_659 = arith.constant 2 : i32
    %dma_wait3A_660 = tpu.memref_slice %arg3[%dma_wait3A_659] : memref<16x!tpu.dma_semaphore, #tpu.memory_space<semaphore_mem>> -> memref<1x!tpu.dma_semaphore, #tpu.memory_space<semaphore_mem>>
    %dma_wait3A_661 = tpu.memref_squeeze %dma_wait3A_660 : memref<1x!tpu.dma_semaphore, #tpu.memory_space<semaphore_mem>> -> memref<!tpu.dma_semaphore, #tpu.memory_space<semaphore_mem>>
    %dma_wait3A_662 = arith.constant 0 : i32
    %dma_wait3A_663 = arith.constant 0 : i32
    %dma_wait3A_664 = tpu.memref_slice %arg2[%dma_wait3A_658, %dma_wait3A_662, %dma_wait3A_663] : memref<16x256x2048xf32, #tpu.memory_space<vmem>> -> memref<1x256x2048xf32, #tpu.memory_space<vmem>>
    %dma_wait3A_665 = tpu.memref_squeeze %dma_wait3A_664 : memref<1x256x2048xf32, #tpu.memory_space<vmem>> -> memref<256x2048xf32, #tpu.memory_space<vmem>>
    %dma_wait3A_666 = arith.constant 4608 : i32
    %dma_wait3A_667 = arith.constant 0 : i32
    %dma_wait3A_668 = tpu.memref_slice %arg0[%dma_wait3A_666, %dma_wait3A_667] : memref<8192x2048xf32, #tpu.memory_space<any>> -> memref<256x2048xf32, #tpu.memory_space<any>>
    tpu.wait_dma2 semaphore(%dma_wait3A_661 : memref<!tpu.dma_semaphore, #tpu.memory_space<semaphore_mem>>) src(%dma_wait3A_668 : memref<256x2048xf32, #tpu.memory_space<any>>) dst(%dma_wait3A_665 : memref<256x2048xf32, #tpu.memory_space<vmem>>)
    %dma_start3A_669 = arith.constant 2 : i32
    %dma_start3A_670 = arith.constant 2 : i32
    %dma_start3A_671 = tpu.memref_slice %arg4[%dma_start3A_670] : memref<16x!tpu.dma_semaphore, #tpu.memory_space<semaphore_mem>> -> memref<1x!tpu.dma_semaphore, #tpu.memory_space<semaphore_mem>>
    %dma_start3A_672 = tpu.memref_squeeze %dma_start3A_671 : memref<1x!tpu.dma_semaphore, #tpu.memory_space<semaphore_mem>> -> memref<!tpu.dma_semaphore, #tpu.memory_space<semaphore_mem>>
    %dma_start3A_673 = arith.constant 4608 : i32
    %dma_start3A_674 = arith.constant 0 : i32
    %dma_start3A_675 = tpu.memref_slice %arg1[%dma_start3A_673, %dma_start3A_674] : memref<5120x2048xf32, #tpu.memory_space<any>> -> memref<256x2048xf32, #tpu.memory_space<any>>
    %dma_start3A_676 = arith.constant 0 : i32
    %dma_start3A_677 = arith.constant 0 : i32
    %dma_start3A_678 = tpu.memref_slice %arg2[%dma_start3A_669, %dma_start3A_676, %dma_start3A_677] : memref<16x256x2048xf32, #tpu.memory_space<vmem>> -> memref<1x256x2048xf32, #tpu.memory_space<vmem>>
    %dma_start3A_679 = tpu.memref_squeeze %dma_start3A_678 : memref<1x256x2048xf32, #tpu.memory_space<vmem>> -> memref<256x2048xf32, #tpu.memory_space<vmem>>
    tpu.enqueue_dma source(%dma_start3A_679 : memref<256x2048xf32, #tpu.memory_space<vmem>>) target(%dma_start3A_675 : memref<256x2048xf32, #tpu.memory_space<any>>) target_semaphore(%dma_start3A_672 : memref<!tpu.dma_semaphore, #tpu.memory_space<semaphore_mem>>)
    %dma_wait3A_680 = arith.constant 3 : i32
    %dma_wait3A_681 = arith.constant 3 : i32
    %dma_wait3A_682 = tpu.memref_slice %arg3[%dma_wait3A_681] : memref<16x!tpu.dma_semaphore, #tpu.memory_space<semaphore_mem>> -> memref<1x!tpu.dma_semaphore, #tpu.memory_space<semaphore_mem>>
    %dma_wait3A_683 = tpu.memref_squeeze %dma_wait3A_682 : memref<1x!tpu.dma_semaphore, #tpu.memory_space<semaphore_mem>> -> memref<!tpu.dma_semaphore, #tpu.memory_space<semaphore_mem>>
    %dma_wait3A_684 = arith.constant 0 : i32
    %dma_wait3A_685 = arith.constant 0 : i32
    %dma_wait3A_686 = tpu.memref_slice %arg2[%dma_wait3A_680, %dma_wait3A_684, %dma_wait3A_685] : memref<16x256x2048xf32, #tpu.memory_space<vmem>> -> memref<1x256x2048xf32, #tpu.memory_space<vmem>>
    %dma_wait3A_687 = tpu.memref_squeeze %dma_wait3A_686 : memref<1x256x2048xf32, #tpu.memory_space<vmem>> -> memref<256x2048xf32, #tpu.memory_space<vmem>>
    %dma_wait3A_688 = arith.constant 4864 : i32
    %dma_wait3A_689 = arith.constant 0 : i32
    %dma_wait3A_690 = tpu.memref_slice %arg0[%dma_wait3A_688, %dma_wait3A_689] : memref<8192x2048xf32, #tpu.memory_space<any>> -> memref<256x2048xf32, #tpu.memory_space<any>>
    tpu.wait_dma2 semaphore(%dma_wait3A_683 : memref<!tpu.dma_semaphore, #tpu.memory_space<semaphore_mem>>) src(%dma_wait3A_690 : memref<256x2048xf32, #tpu.memory_space<any>>) dst(%dma_wait3A_687 : memref<256x2048xf32, #tpu.memory_space<vmem>>)
    %dma_start3A_691 = arith.constant 3 : i32
    %dma_start3A_692 = arith.constant 3 : i32
    %dma_start3A_693 = tpu.memref_slice %arg4[%dma_start3A_692] : memref<16x!tpu.dma_semaphore, #tpu.memory_space<semaphore_mem>> -> memref<1x!tpu.dma_semaphore, #tpu.memory_space<semaphore_mem>>
    %dma_start3A_694 = tpu.memref_squeeze %dma_start3A_693 : memref<1x!tpu.dma_semaphore, #tpu.memory_space<semaphore_mem>> -> memref<!tpu.dma_semaphore, #tpu.memory_space<semaphore_mem>>
    %dma_start3A_695 = arith.constant 4864 : i32
    %dma_start3A_696 = arith.constant 0 : i32
    %dma_start3A_697 = tpu.memref_slice %arg1[%dma_start3A_695, %dma_start3A_696] : memref<5120x2048xf32, #tpu.memory_space<any>> -> memref<256x2048xf32, #tpu.memory_space<any>>
    %dma_start3A_698 = arith.constant 0 : i32
    %dma_start3A_699 = arith.constant 0 : i32
    %dma_start3A_700 = tpu.memref_slice %arg2[%dma_start3A_691, %dma_start3A_698, %dma_start3A_699] : memref<16x256x2048xf32, #tpu.memory_space<vmem>> -> memref<1x256x2048xf32, #tpu.memory_space<vmem>>
    %dma_start3A_701 = tpu.memref_squeeze %dma_start3A_700 : memref<1x256x2048xf32, #tpu.memory_space<vmem>> -> memref<256x2048xf32, #tpu.memory_space<vmem>>
    tpu.enqueue_dma source(%dma_start3A_701 : memref<256x2048xf32, #tpu.memory_space<vmem>>) target(%dma_start3A_697 : memref<256x2048xf32, #tpu.memory_space<any>>) target_semaphore(%dma_start3A_694 : memref<!tpu.dma_semaphore, #tpu.memory_space<semaphore_mem>>)
    %dma_wait3A_702 = arith.constant 4 : i32
    %dma_wait3A_703 = arith.constant 4 : i32
    %dma_wait3A_704 = tpu.memref_slice %arg4[%dma_wait3A_703] : memref<16x!tpu.dma_semaphore, #tpu.memory_space<semaphore_mem>> -> memref<1x!tpu.dma_semaphore, #tpu.memory_space<semaphore_mem>>
    %dma_wait3A_705 = tpu.memref_squeeze %dma_wait3A_704 : memref<1x!tpu.dma_semaphore, #tpu.memory_space<semaphore_mem>> -> memref<!tpu.dma_semaphore, #tpu.memory_space<semaphore_mem>>
    %dma_wait3A_706 = arith.constant 1024 : i32
    %dma_wait3A_707 = arith.constant 0 : i32
    %dma_wait3A_708 = tpu.memref_slice %arg1[%dma_wait3A_706, %dma_wait3A_707] : memref<5120x2048xf32, #tpu.memory_space<any>> -> memref<256x2048xf32, #tpu.memory_space<any>>
    %dma_wait3A_709 = arith.constant 0 : i32
    %dma_wait3A_710 = arith.constant 0 : i32
    %dma_wait3A_711 = tpu.memref_slice %arg2[%dma_wait3A_702, %dma_wait3A_709, %dma_wait3A_710] : memref<16x256x2048xf32, #tpu.memory_space<vmem>> -> memref<1x256x2048xf32, #tpu.memory_space<vmem>>
    %dma_wait3A_712 = tpu.memref_squeeze %dma_wait3A_711 : memref<1x256x2048xf32, #tpu.memory_space<vmem>> -> memref<256x2048xf32, #tpu.memory_space<vmem>>
    tpu.wait_dma2 semaphore(%dma_wait3A_705 : memref<!tpu.dma_semaphore, #tpu.memory_space<semaphore_mem>>) src(%dma_wait3A_712 : memref<256x2048xf32, #tpu.memory_space<vmem>>) dst(%dma_wait3A_708 : memref<256x2048xf32, #tpu.memory_space<any>>)
    %dma_wait3A_713 = arith.constant 5 : i32
    %dma_wait3A_714 = arith.constant 5 : i32
    %dma_wait3A_715 = tpu.memref_slice %arg4[%dma_wait3A_714] : memref<16x!tpu.dma_semaphore, #tpu.memory_space<semaphore_mem>> -> memref<1x!tpu.dma_semaphore, #tpu.memory_space<semaphore_mem>>
    %dma_wait3A_716 = tpu.memref_squeeze %dma_wait3A_715 : memref<1x!tpu.dma_semaphore, #tpu.memory_space<semaphore_mem>> -> memref<!tpu.dma_semaphore, #tpu.memory_space<semaphore_mem>>
    %dma_wait3A_717 = arith.constant 1280 : i32
    %dma_wait3A_718 = arith.constant 0 : i32
    %dma_wait3A_719 = tpu.memref_slice %arg1[%dma_wait3A_717, %dma_wait3A_718] : memref<5120x2048xf32, #tpu.memory_space<any>> -> memref<256x2048xf32, #tpu.memory_space<any>>
    %dma_wait3A_720 = arith.constant 0 : i32
    %dma_wait3A_721 = arith.constant 0 : i32
    %dma_wait3A_722 = tpu.memref_slice %arg2[%dma_wait3A_713, %dma_wait3A_720, %dma_wait3A_721] : memref<16x256x2048xf32, #tpu.memory_space<vmem>> -> memref<1x256x2048xf32, #tpu.memory_space<vmem>>
    %dma_wait3A_723 = tpu.memref_squeeze %dma_wait3A_722 : memref<1x256x2048xf32, #tpu.memory_space<vmem>> -> memref<256x2048xf32, #tpu.memory_space<vmem>>
    tpu.wait_dma2 semaphore(%dma_wait3A_716 : memref<!tpu.dma_semaphore, #tpu.memory_space<semaphore_mem>>) src(%dma_wait3A_723 : memref<256x2048xf32, #tpu.memory_space<vmem>>) dst(%dma_wait3A_719 : memref<256x2048xf32, #tpu.memory_space<any>>)
    %dma_wait3A_724 = arith.constant 6 : i32
    %dma_wait3A_725 = arith.constant 6 : i32
    %dma_wait3A_726 = tpu.memref_slice %arg4[%dma_wait3A_725] : memref<16x!tpu.dma_semaphore, #tpu.memory_space<semaphore_mem>> -> memref<1x!tpu.dma_semaphore, #tpu.memory_space<semaphore_mem>>
    %dma_wait3A_727 = tpu.memref_squeeze %dma_wait3A_726 : memref<1x!tpu.dma_semaphore, #tpu.memory_space<semaphore_mem>> -> memref<!tpu.dma_semaphore, #tpu.memory_space<semaphore_mem>>
    %dma_wait3A_728 = arith.constant 1536 : i32
    %dma_wait3A_729 = arith.constant 0 : i32
    %dma_wait3A_730 = tpu.memref_slice %arg1[%dma_wait3A_728, %dma_wait3A_729] : memref<5120x2048xf32, #tpu.memory_space<any>> -> memref<256x2048xf32, #tpu.memory_space<any>>
    %dma_wait3A_731 = arith.constant 0 : i32
    %dma_wait3A_732 = arith.constant 0 : i32
    %dma_wait3A_733 = tpu.memref_slice %arg2[%dma_wait3A_724, %dma_wait3A_731, %dma_wait3A_732] : memref<16x256x2048xf32, #tpu.memory_space<vmem>> -> memref<1x256x2048xf32, #tpu.memory_space<vmem>>
    %dma_wait3A_734 = tpu.memref_squeeze %dma_wait3A_733 : memref<1x256x2048xf32, #tpu.memory_space<vmem>> -> memref<256x2048xf32, #tpu.memory_space<vmem>>
    tpu.wait_dma2 semaphore(%dma_wait3A_727 : memref<!tpu.dma_semaphore, #tpu.memory_space<semaphore_mem>>) src(%dma_wait3A_734 : memref<256x2048xf32, #tpu.memory_space<vmem>>) dst(%dma_wait3A_730 : memref<256x2048xf32, #tpu.memory_space<any>>)
    %dma_wait3A_735 = arith.constant 7 : i32
    %dma_wait3A_736 = arith.constant 7 : i32
    %dma_wait3A_737 = tpu.memref_slice %arg4[%dma_wait3A_736] : memref<16x!tpu.dma_semaphore, #tpu.memory_space<semaphore_mem>> -> memref<1x!tpu.dma_semaphore, #tpu.memory_space<semaphore_mem>>
    %dma_wait3A_738 = tpu.memref_squeeze %dma_wait3A_737 : memref<1x!tpu.dma_semaphore, #tpu.memory_space<semaphore_mem>> -> memref<!tpu.dma_semaphore, #tpu.memory_space<semaphore_mem>>
    %dma_wait3A_739 = arith.constant 1792 : i32
    %dma_wait3A_740 = arith.constant 0 : i32
    %dma_wait3A_741 = tpu.memref_slice %arg1[%dma_wait3A_739, %dma_wait3A_740] : memref<5120x2048xf32, #tpu.memory_space<any>> -> memref<256x2048xf32, #tpu.memory_space<any>>
    %dma_wait3A_742 = arith.constant 0 : i32
    %dma_wait3A_743 = arith.constant 0 : i32
    %dma_wait3A_744 = tpu.memref_slice %arg2[%dma_wait3A_735, %dma_wait3A_742, %dma_wait3A_743] : memref<16x256x2048xf32, #tpu.memory_space<vmem>> -> memref<1x256x2048xf32, #tpu.memory_space<vmem>>
    %dma_wait3A_745 = tpu.memref_squeeze %dma_wait3A_744 : memref<1x256x2048xf32, #tpu.memory_space<vmem>> -> memref<256x2048xf32, #tpu.memory_space<vmem>>
    tpu.wait_dma2 semaphore(%dma_wait3A_738 : memref<!tpu.dma_semaphore, #tpu.memory_space<semaphore_mem>>) src(%dma_wait3A_745 : memref<256x2048xf32, #tpu.memory_space<vmem>>) dst(%dma_wait3A_741 : memref<256x2048xf32, #tpu.memory_space<any>>)
    %dma_wait3A_746 = arith.constant 8 : i32
    %dma_wait3A_747 = arith.constant 8 : i32
    %dma_wait3A_748 = tpu.memref_slice %arg4[%dma_wait3A_747] : memref<16x!tpu.dma_semaphore, #tpu.memory_space<semaphore_mem>> -> memref<1x!tpu.dma_semaphore, #tpu.memory_space<semaphore_mem>>
    %dma_wait3A_749 = tpu.memref_squeeze %dma_wait3A_748 : memref<1x!tpu.dma_semaphore, #tpu.memory_space<semaphore_mem>> -> memref<!tpu.dma_semaphore, #tpu.memory_space<semaphore_mem>>
    %dma_wait3A_750 = arith.constant 2048 : i32
    %dma_wait3A_751 = arith.constant 0 : i32
    %dma_wait3A_752 = tpu.memref_slice %arg1[%dma_wait3A_750, %dma_wait3A_751] : memref<5120x2048xf32, #tpu.memory_space<any>> -> memref<256x2048xf32, #tpu.memory_space<any>>
    %dma_wait3A_753 = arith.constant 0 : i32
    %dma_wait3A_754 = arith.constant 0 : i32
    %dma_wait3A_755 = tpu.memref_slice %arg2[%dma_wait3A_746, %dma_wait3A_753, %dma_wait3A_754] : memref<16x256x2048xf32, #tpu.memory_space<vmem>> -> memref<1x256x2048xf32, #tpu.memory_space<vmem>>
    %dma_wait3A_756 = tpu.memref_squeeze %dma_wait3A_755 : memref<1x256x2048xf32, #tpu.memory_space<vmem>> -> memref<256x2048xf32, #tpu.memory_space<vmem>>
    tpu.wait_dma2 semaphore(%dma_wait3A_749 : memref<!tpu.dma_semaphore, #tpu.memory_space<semaphore_mem>>) src(%dma_wait3A_756 : memref<256x2048xf32, #tpu.memory_space<vmem>>) dst(%dma_wait3A_752 : memref<256x2048xf32, #tpu.memory_space<any>>)
    %dma_wait3A_757 = arith.constant 9 : i32
    %dma_wait3A_758 = arith.constant 9 : i32
    %dma_wait3A_759 = tpu.memref_slice %arg4[%dma_wait3A_758] : memref<16x!tpu.dma_semaphore, #tpu.memory_space<semaphore_mem>> -> memref<1x!tpu.dma_semaphore, #tpu.memory_space<semaphore_mem>>
    %dma_wait3A_760 = tpu.memref_squeeze %dma_wait3A_759 : memref<1x!tpu.dma_semaphore, #tpu.memory_space<semaphore_mem>> -> memref<!tpu.dma_semaphore, #tpu.memory_space<semaphore_mem>>
    %dma_wait3A_761 = arith.constant 2304 : i32
    %dma_wait3A_762 = arith.constant 0 : i32
    %dma_wait3A_763 = tpu.memref_slice %arg1[%dma_wait3A_761, %dma_wait3A_762] : memref<5120x2048xf32, #tpu.memory_space<any>> -> memref<256x2048xf32, #tpu.memory_space<any>>
    %dma_wait3A_764 = arith.constant 0 : i32
    %dma_wait3A_765 = arith.constant 0 : i32
    %dma_wait3A_766 = tpu.memref_slice %arg2[%dma_wait3A_757, %dma_wait3A_764, %dma_wait3A_765] : memref<16x256x2048xf32, #tpu.memory_space<vmem>> -> memref<1x256x2048xf32, #tpu.memory_space<vmem>>
    %dma_wait3A_767 = tpu.memref_squeeze %dma_wait3A_766 : memref<1x256x2048xf32, #tpu.memory_space<vmem>> -> memref<256x2048xf32, #tpu.memory_space<vmem>>
    tpu.wait_dma2 semaphore(%dma_wait3A_760 : memref<!tpu.dma_semaphore, #tpu.memory_space<semaphore_mem>>) src(%dma_wait3A_767 : memref<256x2048xf32, #tpu.memory_space<vmem>>) dst(%dma_wait3A_763 : memref<256x2048xf32, #tpu.memory_space<any>>)
    %dma_wait3A_768 = arith.constant 10 : i32
    %dma_wait3A_769 = arith.constant 10 : i32
    %dma_wait3A_770 = tpu.memref_slice %arg4[%dma_wait3A_769] : memref<16x!tpu.dma_semaphore, #tpu.memory_space<semaphore_mem>> -> memref<1x!tpu.dma_semaphore, #tpu.memory_space<semaphore_mem>>
    %dma_wait3A_771 = tpu.memref_squeeze %dma_wait3A_770 : memref<1x!tpu.dma_semaphore, #tpu.memory_space<semaphore_mem>> -> memref<!tpu.dma_semaphore, #tpu.memory_space<semaphore_mem>>
    %dma_wait3A_772 = arith.constant 2560 : i32
    %dma_wait3A_773 = arith.constant 0 : i32
    %dma_wait3A_774 = tpu.memref_slice %arg1[%dma_wait3A_772, %dma_wait3A_773] : memref<5120x2048xf32, #tpu.memory_space<any>> -> memref<256x2048xf32, #tpu.memory_space<any>>
    %dma_wait3A_775 = arith.constant 0 : i32
    %dma_wait3A_776 = arith.constant 0 : i32
    %dma_wait3A_777 = tpu.memref_slice %arg2[%dma_wait3A_768, %dma_wait3A_775, %dma_wait3A_776] : memref<16x256x2048xf32, #tpu.memory_space<vmem>> -> memref<1x256x2048xf32, #tpu.memory_space<vmem>>
    %dma_wait3A_778 = tpu.memref_squeeze %dma_wait3A_777 : memref<1x256x2048xf32, #tpu.memory_space<vmem>> -> memref<256x2048xf32, #tpu.memory_space<vmem>>
    tpu.wait_dma2 semaphore(%dma_wait3A_771 : memref<!tpu.dma_semaphore, #tpu.memory_space<semaphore_mem>>) src(%dma_wait3A_778 : memref<256x2048xf32, #tpu.memory_space<vmem>>) dst(%dma_wait3A_774 : memref<256x2048xf32, #tpu.memory_space<any>>)
    %dma_wait3A_779 = arith.constant 11 : i32
    %dma_wait3A_780 = arith.constant 11 : i32
    %dma_wait3A_781 = tpu.memref_slice %arg4[%dma_wait3A_780] : memref<16x!tpu.dma_semaphore, #tpu.memory_space<semaphore_mem>> -> memref<1x!tpu.dma_semaphore, #tpu.memory_space<semaphore_mem>>
    %dma_wait3A_782 = tpu.memref_squeeze %dma_wait3A_781 : memref<1x!tpu.dma_semaphore, #tpu.memory_space<semaphore_mem>> -> memref<!tpu.dma_semaphore, #tpu.memory_space<semaphore_mem>>
    %dma_wait3A_783 = arith.constant 2816 : i32
    %dma_wait3A_784 = arith.constant 0 : i32
    %dma_wait3A_785 = tpu.memref_slice %arg1[%dma_wait3A_783, %dma_wait3A_784] : memref<5120x2048xf32, #tpu.memory_space<any>> -> memref<256x2048xf32, #tpu.memory_space<any>>
    %dma_wait3A_786 = arith.constant 0 : i32
    %dma_wait3A_787 = arith.constant 0 : i32
    %dma_wait3A_788 = tpu.memref_slice %arg2[%dma_wait3A_779, %dma_wait3A_786, %dma_wait3A_787] : memref<16x256x2048xf32, #tpu.memory_space<vmem>> -> memref<1x256x2048xf32, #tpu.memory_space<vmem>>
    %dma_wait3A_789 = tpu.memref_squeeze %dma_wait3A_788 : memref<1x256x2048xf32, #tpu.memory_space<vmem>> -> memref<256x2048xf32, #tpu.memory_space<vmem>>
    tpu.wait_dma2 semaphore(%dma_wait3A_782 : memref<!tpu.dma_semaphore, #tpu.memory_space<semaphore_mem>>) src(%dma_wait3A_789 : memref<256x2048xf32, #tpu.memory_space<vmem>>) dst(%dma_wait3A_785 : memref<256x2048xf32, #tpu.memory_space<any>>)
    %dma_wait3A_790 = arith.constant 12 : i32
    %dma_wait3A_791 = arith.constant 12 : i32
    %dma_wait3A_792 = tpu.memref_slice %arg4[%dma_wait3A_791] : memref<16x!tpu.dma_semaphore, #tpu.memory_space<semaphore_mem>> -> memref<1x!tpu.dma_semaphore, #tpu.memory_space<semaphore_mem>>
    %dma_wait3A_793 = tpu.memref_squeeze %dma_wait3A_792 : memref<1x!tpu.dma_semaphore, #tpu.memory_space<semaphore_mem>> -> memref<!tpu.dma_semaphore, #tpu.memory_space<semaphore_mem>>
    %dma_wait3A_794 = arith.constant 3072 : i32
    %dma_wait3A_795 = arith.constant 0 : i32
    %dma_wait3A_796 = tpu.memref_slice %arg1[%dma_wait3A_794, %dma_wait3A_795] : memref<5120x2048xf32, #tpu.memory_space<any>> -> memref<256x2048xf32, #tpu.memory_space<any>>
    %dma_wait3A_797 = arith.constant 0 : i32
    %dma_wait3A_798 = arith.constant 0 : i32
    %dma_wait3A_799 = tpu.memref_slice %arg2[%dma_wait3A_790, %dma_wait3A_797, %dma_wait3A_798] : memref<16x256x2048xf32, #tpu.memory_space<vmem>> -> memref<1x256x2048xf32, #tpu.memory_space<vmem>>
    %dma_wait3A_800 = tpu.memref_squeeze %dma_wait3A_799 : memref<1x256x2048xf32, #tpu.memory_space<vmem>> -> memref<256x2048xf32, #tpu.memory_space<vmem>>
    tpu.wait_dma2 semaphore(%dma_wait3A_793 : memref<!tpu.dma_semaphore, #tpu.memory_space<semaphore_mem>>) src(%dma_wait3A_800 : memref<256x2048xf32, #tpu.memory_space<vmem>>) dst(%dma_wait3A_796 : memref<256x2048xf32, #tpu.memory_space<any>>)
    %dma_wait3A_801 = arith.constant 13 : i32
    %dma_wait3A_802 = arith.constant 13 : i32
    %dma_wait3A_803 = tpu.memref_slice %arg4[%dma_wait3A_802] : memref<16x!tpu.dma_semaphore, #tpu.memory_space<semaphore_mem>> -> memref<1x!tpu.dma_semaphore, #tpu.memory_space<semaphore_mem>>
    %dma_wait3A_804 = tpu.memref_squeeze %dma_wait3A_803 : memref<1x!tpu.dma_semaphore, #tpu.memory_space<semaphore_mem>> -> memref<!tpu.dma_semaphore, #tpu.memory_space<semaphore_mem>>
    %dma_wait3A_805 = arith.constant 3328 : i32
    %dma_wait3A_806 = arith.constant 0 : i32
    %dma_wait3A_807 = tpu.memref_slice %arg1[%dma_wait3A_805, %dma_wait3A_806] : memref<5120x2048xf32, #tpu.memory_space<any>> -> memref<256x2048xf32, #tpu.memory_space<any>>
    %dma_wait3A_808 = arith.constant 0 : i32
    %dma_wait3A_809 = arith.constant 0 : i32
    %dma_wait3A_810 = tpu.memref_slice %arg2[%dma_wait3A_801, %dma_wait3A_808, %dma_wait3A_809] : memref<16x256x2048xf32, #tpu.memory_space<vmem>> -> memref<1x256x2048xf32, #tpu.memory_space<vmem>>
    %dma_wait3A_811 = tpu.memref_squeeze %dma_wait3A_810 : memref<1x256x2048xf32, #tpu.memory_space<vmem>> -> memref<256x2048xf32, #tpu.memory_space<vmem>>
    tpu.wait_dma2 semaphore(%dma_wait3A_804 : memref<!tpu.dma_semaphore, #tpu.memory_space<semaphore_mem>>) src(%dma_wait3A_811 : memref<256x2048xf32, #tpu.memory_space<vmem>>) dst(%dma_wait3A_807 : memref<256x2048xf32, #tpu.memory_space<any>>)
    %dma_wait3A_812 = arith.constant 14 : i32
    %dma_wait3A_813 = arith.constant 14 : i32
    %dma_wait3A_814 = tpu.memref_slice %arg4[%dma_wait3A_813] : memref<16x!tpu.dma_semaphore, #tpu.memory_space<semaphore_mem>> -> memref<1x!tpu.dma_semaphore, #tpu.memory_space<semaphore_mem>>
    %dma_wait3A_815 = tpu.memref_squeeze %dma_wait3A_814 : memref<1x!tpu.dma_semaphore, #tpu.memory_space<semaphore_mem>> -> memref<!tpu.dma_semaphore, #tpu.memory_space<semaphore_mem>>
    %dma_wait3A_816 = arith.constant 3584 : i32
    %dma_wait3A_817 = arith.constant 0 : i32
    %dma_wait3A_818 = tpu.memref_slice %arg1[%dma_wait3A_816, %dma_wait3A_817] : memref<5120x2048xf32, #tpu.memory_space<any>> -> memref<256x2048xf32, #tpu.memory_space<any>>
    %dma_wait3A_819 = arith.constant 0 : i32
    %dma_wait3A_820 = arith.constant 0 : i32
    %dma_wait3A_821 = tpu.memref_slice %arg2[%dma_wait3A_812, %dma_wait3A_819, %dma_wait3A_820] : memref<16x256x2048xf32, #tpu.memory_space<vmem>> -> memref<1x256x2048xf32, #tpu.memory_space<vmem>>
    %dma_wait3A_822 = tpu.memref_squeeze %dma_wait3A_821 : memref<1x256x2048xf32, #tpu.memory_space<vmem>> -> memref<256x2048xf32, #tpu.memory_space<vmem>>
    tpu.wait_dma2 semaphore(%dma_wait3A_815 : memref<!tpu.dma_semaphore, #tpu.memory_space<semaphore_mem>>) src(%dma_wait3A_822 : memref<256x2048xf32, #tpu.memory_space<vmem>>) dst(%dma_wait3A_818 : memref<256x2048xf32, #tpu.memory_space<any>>)
    %dma_wait3A_823 = arith.constant 15 : i32
    %dma_wait3A_824 = arith.constant 15 : i32
    %dma_wait3A_825 = tpu.memref_slice %arg4[%dma_wait3A_824] : memref<16x!tpu.dma_semaphore, #tpu.memory_space<semaphore_mem>> -> memref<1x!tpu.dma_semaphore, #tpu.memory_space<semaphore_mem>>
    %dma_wait3A_826 = tpu.memref_squeeze %dma_wait3A_825 : memref<1x!tpu.dma_semaphore, #tpu.memory_space<semaphore_mem>> -> memref<!tpu.dma_semaphore, #tpu.memory_space<semaphore_mem>>
    %dma_wait3A_827 = arith.constant 3840 : i32
    %dma_wait3A_828 = arith.constant 0 : i32
    %dma_wait3A_829 = tpu.memref_slice %arg1[%dma_wait3A_827, %dma_wait3A_828] : memref<5120x2048xf32, #tpu.memory_space<any>> -> memref<256x2048xf32, #tpu.memory_space<any>>
    %dma_wait3A_830 = arith.constant 0 : i32
    %dma_wait3A_831 = arith.constant 0 : i32
    %dma_wait3A_832 = tpu.memref_slice %arg2[%dma_wait3A_823, %dma_wait3A_830, %dma_wait3A_831] : memref<16x256x2048xf32, #tpu.memory_space<vmem>> -> memref<1x256x2048xf32, #tpu.memory_space<vmem>>
    %dma_wait3A_833 = tpu.memref_squeeze %dma_wait3A_832 : memref<1x256x2048xf32, #tpu.memory_space<vmem>> -> memref<256x2048xf32, #tpu.memory_space<vmem>>
    tpu.wait_dma2 semaphore(%dma_wait3A_826 : memref<!tpu.dma_semaphore, #tpu.memory_space<semaphore_mem>>) src(%dma_wait3A_833 : memref<256x2048xf32, #tpu.memory_space<vmem>>) dst(%dma_wait3A_829 : memref<256x2048xf32, #tpu.memory_space<any>>)
    %dma_wait3A_834 = arith.constant 0 : i32
    %dma_wait3A_835 = arith.constant 0 : i32
    %dma_wait3A_836 = tpu.memref_slice %arg4[%dma_wait3A_835] : memref<16x!tpu.dma_semaphore, #tpu.memory_space<semaphore_mem>> -> memref<1x!tpu.dma_semaphore, #tpu.memory_space<semaphore_mem>>
    %dma_wait3A_837 = tpu.memref_squeeze %dma_wait3A_836 : memref<1x!tpu.dma_semaphore, #tpu.memory_space<semaphore_mem>> -> memref<!tpu.dma_semaphore, #tpu.memory_space<semaphore_mem>>
    %dma_wait3A_838 = arith.constant 4096 : i32
    %dma_wait3A_839 = arith.constant 0 : i32
    %dma_wait3A_840 = tpu.memref_slice %arg1[%dma_wait3A_838, %dma_wait3A_839] : memref<5120x2048xf32, #tpu.memory_space<any>> -> memref<256x2048xf32, #tpu.memory_space<any>>
    %dma_wait3A_841 = arith.constant 0 : i32
    %dma_wait3A_842 = arith.constant 0 : i32
    %dma_wait3A_843 = tpu.memref_slice %arg2[%dma_wait3A_834, %dma_wait3A_841, %dma_wait3A_842] : memref<16x256x2048xf32, #tpu.memory_space<vmem>> -> memref<1x256x2048xf32, #tpu.memory_space<vmem>>
    %dma_wait3A_844 = tpu.memref_squeeze %dma_wait3A_843 : memref<1x256x2048xf32, #tpu.memory_space<vmem>> -> memref<256x2048xf32, #tpu.memory_space<vmem>>
    tpu.wait_dma2 semaphore(%dma_wait3A_837 : memref<!tpu.dma_semaphore, #tpu.memory_space<semaphore_mem>>) src(%dma_wait3A_844 : memref<256x2048xf32, #tpu.memory_space<vmem>>) dst(%dma_wait3A_840 : memref<256x2048xf32, #tpu.memory_space<any>>)
    %dma_wait3A_845 = arith.constant 1 : i32
    %dma_wait3A_846 = arith.constant 1 : i32
    %dma_wait3A_847 = tpu.memref_slice %arg4[%dma_wait3A_846] : memref<16x!tpu.dma_semaphore, #tpu.memory_space<semaphore_mem>> -> memref<1x!tpu.dma_semaphore, #tpu.memory_space<semaphore_mem>>
    %dma_wait3A_848 = tpu.memref_squeeze %dma_wait3A_847 : memref<1x!tpu.dma_semaphore, #tpu.memory_space<semaphore_mem>> -> memref<!tpu.dma_semaphore, #tpu.memory_space<semaphore_mem>>
    %dma_wait3A_849 = arith.constant 4352 : i32
    %dma_wait3A_850 = arith.constant 0 : i32
    %dma_wait3A_851 = tpu.memref_slice %arg1[%dma_wait3A_849, %dma_wait3A_850] : memref<5120x2048xf32, #tpu.memory_space<any>> -> memref<256x2048xf32, #tpu.memory_space<any>>
    %dma_wait3A_852 = arith.constant 0 : i32
    %dma_wait3A_853 = arith.constant 0 : i32
    %dma_wait3A_854 = tpu.memref_slice %arg2[%dma_wait3A_845, %dma_wait3A_852, %dma_wait3A_853] : memref<16x256x2048xf32, #tpu.memory_space<vmem>> -> memref<1x256x2048xf32, #tpu.memory_space<vmem>>
    %dma_wait3A_855 = tpu.memref_squeeze %dma_wait3A_854 : memref<1x256x2048xf32, #tpu.memory_space<vmem>> -> memref<256x2048xf32, #tpu.memory_space<vmem>>
    tpu.wait_dma2 semaphore(%dma_wait3A_848 : memref<!tpu.dma_semaphore, #tpu.memory_space<semaphore_mem>>) src(%dma_wait3A_855 : memref<256x2048xf32, #tpu.memory_space<vmem>>) dst(%dma_wait3A_851 : memref<256x2048xf32, #tpu.memory_space<any>>)
    %dma_wait3A_856 = arith.constant 2 : i32
    %dma_wait3A_857 = arith.constant 2 : i32
    %dma_wait3A_858 = tpu.memref_slice %arg4[%dma_wait3A_857] : memref<16x!tpu.dma_semaphore, #tpu.memory_space<semaphore_mem>> -> memref<1x!tpu.dma_semaphore, #tpu.memory_space<semaphore_mem>>
    %dma_wait3A_859 = tpu.memref_squeeze %dma_wait3A_858 : memref<1x!tpu.dma_semaphore, #tpu.memory_space<semaphore_mem>> -> memref<!tpu.dma_semaphore, #tpu.memory_space<semaphore_mem>>
    %dma_wait3A_860 = arith.constant 4608 : i32
    %dma_wait3A_861 = arith.constant 0 : i32
    %dma_wait3A_862 = tpu.memref_slice %arg1[%dma_wait3A_860, %dma_wait3A_861] : memref<5120x2048xf32, #tpu.memory_space<any>> -> memref<256x2048xf32, #tpu.memory_space<any>>
    %dma_wait3A_863 = arith.constant 0 : i32
    %dma_wait3A_864 = arith.constant 0 : i32
    %dma_wait3A_865 = tpu.memref_slice %arg2[%dma_wait3A_856, %dma_wait3A_863, %dma_wait3A_864] : memref<16x256x2048xf32, #tpu.memory_space<vmem>> -> memref<1x256x2048xf32, #tpu.memory_space<vmem>>
    %dma_wait3A_866 = tpu.memref_squeeze %dma_wait3A_865 : memref<1x256x2048xf32, #tpu.memory_space<vmem>> -> memref<256x2048xf32, #tpu.memory_space<vmem>>
    tpu.wait_dma2 semaphore(%dma_wait3A_859 : memref<!tpu.dma_semaphore, #tpu.memory_space<semaphore_mem>>) src(%dma_wait3A_866 : memref<256x2048xf32, #tpu.memory_space<vmem>>) dst(%dma_wait3A_862 : memref<256x2048xf32, #tpu.memory_space<any>>)
    %dma_wait3A_867 = arith.constant 3 : i32
    %dma_wait3A_868 = arith.constant 3 : i32
    %dma_wait3A_869 = tpu.memref_slice %arg4[%dma_wait3A_868] : memref<16x!tpu.dma_semaphore, #tpu.memory_space<semaphore_mem>> -> memref<1x!tpu.dma_semaphore, #tpu.memory_space<semaphore_mem>>
    %dma_wait3A_870 = tpu.memref_squeeze %dma_wait3A_869 : memref<1x!tpu.dma_semaphore, #tpu.memory_space<semaphore_mem>> -> memref<!tpu.dma_semaphore, #tpu.memory_space<semaphore_mem>>
    %dma_wait3A_871 = arith.constant 4864 : i32
    %dma_wait3A_872 = arith.constant 0 : i32
    %dma_wait3A_873 = tpu.memref_slice %arg1[%dma_wait3A_871, %dma_wait3A_872] : memref<5120x2048xf32, #tpu.memory_space<any>> -> memref<256x2048xf32, #tpu.memory_space<any>>
    %dma_wait3A_874 = arith.constant 0 : i32
    %dma_wait3A_875 = arith.constant 0 : i32
    %dma_wait3A_876 = tpu.memref_slice %arg2[%dma_wait3A_867, %dma_wait3A_874, %dma_wait3A_875] : memref<16x256x2048xf32, #tpu.memory_space<vmem>> -> memref<1x256x2048xf32, #tpu.memory_space<vmem>>
    %dma_wait3A_877 = tpu.memref_squeeze %dma_wait3A_876 : memref<1x256x2048xf32, #tpu.memory_space<vmem>> -> memref<256x2048xf32, #tpu.memory_space<vmem>>
    tpu.wait_dma2 semaphore(%dma_wait3A_870 : memref<!tpu.dma_semaphore, #tpu.memory_space<semaphore_mem>>) src(%dma_wait3A_877 : memref<256x2048xf32, #tpu.memory_space<vmem>>) dst(%dma_wait3A_873 : memref<256x2048xf32, #tpu.memory_space<any>>)
    return
  }
}

</mosaic_0001>

<sc_bundles>
// kernel: kernel.4.cloned.1.call-start
scs
__scs_entry_jumppad:
0x0: {  	(pc) =	sbr.rel $0x88, $3  }
0x1: {  	(tag) =	ssettag $0x0;
	lr =	simm.s32 $0x1  }
0x2: {  	[smem:$0x3FA0] =	sst lr;
	_ =	strace $0xD0000000  }
0x3: {  	_ = 	snop  }
0x4: {  	_ = 	snop  }
0x5: {  	_ = 	snop  }
0x6: {  	_ = 	snop  }
0x7: {  	_ = 	snop  }
__scs_overlays_trampoline_lowered:
0x8: {  	[smem:$0x3FAF] =	sst s0  }
0x9: {  	[smem:$0x3FB0] =	sst s1  }
0xa: {  	[smem:$0x3FB1] =	sst s2  }
0xb: {  	[smem:$0x3FB2] =	sst s3  }
0xc: {  	[smem:$0x3FB3] =	sst s4  }
0xd: {  	[smem:$0x3FB4] =	sst s5  }
0xe: {  	[smem:$0x3FB5] =	sst s6  }
0xf: {  	[smem:$0x3FB6] =	sst s7  }
0x10: {  	[smem:$0x3FB7] =	sst s8  }
0x11: {  	[smem:$0x3FB8] =	sst s9;
	s0 =	simm.s32 @!p0 $0x0  }
0x12: {  	s1 =	sld [smem:$0x3F9E];
	s0 =	simm.s32 @p0 $0x1  }
0x13: {  	[smem:$0x3FB9] =	sst s0;
	s0 =	simm.s32 @!p1 $0x0  }
0x14: {  	s2 =	sld [smem:$0x3F9D];
	s0 =	simm.s32 @p1 $0x1  }
0x15: {  	[smem:$0x3FBA] =	sst s0;
	s0 =	simm.s32 @!p2 $0x0  }
0x16: {  	s3 =	sld [smem:$0x3FDB];
	s0 =	simm.s32 @p2 $0x1  }
0x17: {  	s4 =	simm.s32 $0x1BF5;
	[smem:$0x3FBC] =	sst s0  }
0x18: {  	s0 =	sld [smem:$0x3F9F];
	_ =	swait.ge [sflag:s4], $0x0  }
0x19: {  	s7 =	sld [smem:$0x3FA0]  }
0x1a: {  	s8 =	sadd.s32 $0xFFFFE003, lr  }
0x1b: {  	s9 =	sadd.s32 $0xFFFFFEF7, lr;
	s5 =	simm.s32 $0xFFFFFFFF;
	p2 =	slt.u32 s8, $0xFFFFF086  }
0x1c: {  	p1 =	slt.u32 s9, $0xF7A;
	s5 =	simm.s32 @!p2 $0x0  }
0x1d: {  	s5 =	simm.s32 @p1 $0x1;
	p0 =	seq.s32 s7, s2  }
0x1e: {  	s7 =	smul.u32 @!p0 $0xF7A, s2;
	p2 =	seq.s32 @!p0 s5, $0x0  }
0x1f: {  	s9 =	smul.u32 $0xF7A, s1;
	s8 =	simm.s32 @!p0 $0x1BF5;
	p2 =	por !p2, p0  }
0x20: {  	[sflag:s8] =	ssyncset.s32 @!p0 $0xFFFFF086;
	s6 =	sadd.s32 @!p0 s3, s7;
	s7 =	simm.s32 @!p0 $0x108  }
0x21: {  	s3 =	sadd.s32 s3, s9;
	s6 =	sadd.s32 @!p0 $0x88, s6;
	s7 =	simm.s32 @p2 $0x1082  }
0x22: {  	[simem:s7], [sflag:s8] =	dma.local @!p0 [hbm:s6], $0xF7A  }
0x23: {  	s9 =	sor.u32 $0xD0000000, s2;
	s6 =	simm.s32 $0x108;
	_ =	swait.ge @!p0 [sflag:s8], $0x0  }
0x24: {  	s3 =	sadd.s32 $0x88, s3;
	s6 =	simm.s32 @!p1 $0x1082;
	[sflag:s4] =	ssyncset.s32 $0xFFFFF086  }
0x25: {  	[simem:s6], [sflag:s4] =	dma.local [hbm:s3], $0xF7A  }
0x26: {  	[smem:$0x3FA0] =	sst s1;
	(tag) =	ssettag s2;
	_ =	strace s9  }
0x27: {  	s1 =	sld [smem:$0x3FB0]  }
0x28: {  	s2 =	sld [smem:$0x3FB1]  }
0x29: {  	s4 =	sld [smem:$0x3FB3]  }
0x2a: {  	p0 =	seq.s32 s5, $0x0;
	s5 =	sld [smem:$0x3FB4]  }
0x2b: {  	s6 =	sld [smem:$0x3FB5]  }
0x2c: {  	s7 =	sld [smem:$0x3FB6]  }
0x2d: {  	s3 =	simm.s32 $0x108;
	s8 =	sld [smem:$0x3FB7]  }
0x2e: {  	s3 =	simm.s32 @!p0 $0x1082;
	s9 =	sld [smem:$0x3FB8]  }
0x2f: {  	lr =	sadd.s32 s0, s3;
	s0 =	sld [smem:$0x3FAF]  }
0x30: {  	s3 =	sld [smem:$0x3FB2]  }
0x31: {  	[smem:$0x3FBB] =	sst s10  }
0x32: {  	s10 =	sld [smem:$0x3FB9];
	_ =	sdelay $0x3  }
0x33: {  	p0 =	seq.s32 s10, $0x1;
	s10 =	sld [smem:$0x3FBB];
	_ =	sdelay $0x3  }
0x34: {  	[smem:$0x3FBB] =	sst s10  }
0x35: {  	s10 =	sld [smem:$0x3FBA];
	_ =	sdelay $0x3  }
0x36: {  	p1 =	seq.s32 s10, $0x1;
	s10 =	sld [smem:$0x3FBB];
	_ =	sdelay $0x3  }
0x37: {  	[smem:$0x3FBB] =	sst s10  }
0x38: {  	s10 =	sld [smem:$0x3FBC]  }
0x39: {  	_ = 	snop;
	(pc) =	sbr.ind lr, $3  }
0x3a: {  	_ = 	snop  }
0x3b: {  	_ = 	snop  }
0x3c: {  	p2 =	seq.s32 s10, $0x1;
	s10 =	sld [smem:$0x3FBB]  }
0x3d: {  	_ =	shalt  }
0x3e: {  	_ =	shalt  }
0x3f: {  	_ =	shalt  }
0x40: {  	_ =	shalt  }
0x41: {  	_ =	shalt  }
0x42: {  	_ =	shalt  }
0x43: {  	_ =	shalt  }
0x44: {  	_ =	shalt  }
0x45: {  	_ =	shalt  }
0x46: {  	_ =	shalt  }
0x47: {  	_ =	shalt  }
0x48: {  	_ =	shalt  }
0x49: {  	_ =	shalt  }
0x4a: {  	_ =	shalt  }
0x4b: {  	_ =	shalt  }
0x4c: {  	_ =	shalt  }
0x4d: {  	_ =	shalt  }
0x4e: {  	_ =	shalt  }
0x4f: {  	_ =	shalt  }
0x50: {  	_ =	shalt  }
0x51: {  	_ =	shalt  }
0x52: {  	_ =	shalt  }
0x53: {  	_ =	shalt  }
0x54: {  	_ =	shalt  }
0x55: {  	_ =	shalt  }
0x56: {  	_ =	shalt  }
0x57: {  	_ =	shalt  }
0x58: {  	_ =	shalt  }
0x59: {  	_ =	shalt  }
0x5a: {  	_ =	shalt  }
0x5b: {  	_ =	shalt  }
0x5c: {  	_ =	shalt  }
0x5d: {  	_ =	shalt  }
0x5e: {  	_ =	shalt  }
0x5f: {  	_ =	shalt  }
0x60: {  	_ =	shalt  }
0x61: {  	_ =	shalt  }
0x62: {  	_ =	shalt  }
0x63: {  	_ =	shalt  }
0x64: {  	_ =	shalt  }
0x65: {  	_ =	shalt  }
0x66: {  	_ =	shalt  }
0x67: {  	_ =	shalt  }
0x68: {  	_ =	shalt  }
0x69: {  	_ =	shalt  }
0x6a: {  	_ =	shalt  }
0x6b: {  	_ =	shalt  }
0x6c: {  	_ =	shalt  }
0x6d: {  	_ =	shalt  }
0x6e: {  	_ =	shalt  }
0x6f: {  	_ =	shalt  }
0x70: {  	_ =	shalt  }
0x71: {  	_ =	shalt  }
0x72: {  	_ =	shalt  }
0x73: {  	_ =	shalt  }
0x74: {  	_ =	shalt  }
0x75: {  	_ =	shalt  }
0x76: {  	_ =	shalt  }
0x77: {  	_ =	shalt  }
0x78: {  	_ =	shalt  }
0x79: {  	_ =	shalt  }
0x7a: {  	_ =	shalt  }
0x7b: {  	_ =	shalt  }
0x7c: {  	_ =	shalt  }
0x7d: {  	_ =	shalt  }
0x7e: {  	_ =	shalt  }
0x7f: {  	_ =	shalt  }
0x80: {  	_ =	shalt  }
0x81: {  	_ =	shalt  }
0x82: {  	_ =	shalt  }
0x83: {  	_ =	shalt  }
0x84: {  	_ =	shalt  }
0x85: {  	_ =	shalt  }
0x86: {  	_ =	shalt  }
0x87: {  	_ =	shalt  }
.Lfunc_end0:
.L_simem_size_0:
called_computation_lowered:
.L_overlay_start_0:
0x88: {  	s2 =	sld [smem:$0x3FD9]  }
0x89: {  	s3 =	sld [smem:$0x3FFE];
	_ =	sdelay $0x1  }
0x8a: {  	s1 =	srdreg.scid  }
0x8b: {  	s0 =	sand.u32 $0x1, s1  }
0x8c: {  	s17 =	sshll.u32 s0, $0xA;
	s2 =	sadd.s32 s3, s2  }
0x8d: {  	s2 =	sadd.s32 s2, s17  }
0x8e: {  	[smem:$0x3FC7] =	sst s2  }
0x8f: {  	_ = 	snop  }
0x90: {  	s2 =	sld [smem:$0x3FC9];
	(tm) =	ssettm $0x1  }
0x91: {  	s18 =	sld [smem:$0x3FFB];
	_ =	sdelay $0x3  }
0x92: {  	_ =	strace s18  }
0x93: {  	s3 =	sld [smem:$0x3FFC];
	_ =	sdelay $0x3  }
0x94: {  	_ =	strace s3  }
0x95: {  	s3 =	sld [smem:$0x3FFD];
	_ =	sdelay $0x3  }
0x96: {  	_ =	strace s3  }
0x97: {  	_ =	strace $0x8FFFFFFF  }
0x98: {  	s19 =	sld [smem:$0x3FDB];
	_ =	sdelay $0x1  }
0x99: {  	s4 =	simm.s32 $_scs_section_size  }
0x9a: {  	s5 =	simm.s32 $_size__tile_overlayer_lowered;
	s6 =	simm.s32 $_tile_overlayer_lowered  }
0x9b: {  	s22 =	simm.s32 $0x1BFF;
	s21 =	sshll.u32 s6, $0x1;
	s3 =	sadd.s32 s4, s19  }
0x9c: {  	s7 =	simm.s32 $0x0;
	s20 =	sshll.u32 s5, $0x1;
	s5 =	sadd.s32 s21, s3  }
0x9d: {  	[timem:s7], [sflag:s22] =	dma.local [hbm:s5], s20  }
0x9e: {  	_ =	swait.ge [sflag:s22], s20  }
0x9f: {  	s4 =	ssub.s32 $0x0, s20;
	[sflag:s22] =	ssyncset.done $0x0  }
0xa0: {  	[sflag:s22] =	ssyncadd.s32 s4;
	_ =	sdelay $0x1  }
0xa1: {  	s23 =	simm.s32 $0x1B8B  }
0xa2: {  	_ =	swait.ge [sflag:s23], $0x1  }
0xa3: {  	[sflag:s23] =	ssyncset.done $0x0  }
0xa4: {  	s25 =	simm.s32 $0x1B8E;
	s24 =	sld [smem:$0x3FFE];
	[sflag:s23] =	ssyncadd.s32 $0xFFFFFFFF  }
0xa5: {  	s26 =	simm.s32 $execute0_lowered;
	[smem:$0x3FD2] =	sst s25  }
0xa6: {  	s5 =	sshll.u32 s26, $0x1;
	_ =	strace $0x80000046;
	[dreg:$0x1] =	wrdreg $0xFFFFFFFF  }
0xa7: {  	s28 =	simm.s32 $_size_execute0_lowered;
	s3 =	sadd.s32 s3, s5;
	[dreg:$0x0] =	wrdreg $0x0  }
0xa8: {  	s5 =	sshll.u32 s28, $0x1;
	[dreg:$0x2] =	wrdreg s3  }
0xa9: {  	[dreg:$0x3] =	wrdreg s5  }
0xaa: {  	[dreg:$0x4] =	wrdreg $0xC0  }
0xab: {  	_ =	task [dreg:s7], $0x5FFFF  }
0xac: {  	[dreg:$0x1] =	wrdreg $0xFFFFFFFF  }
0xad: {  	[dreg:$0x0] =	wrdreg $0x60  }
0xae: {  	[dreg:$0x2] =	wrdreg s2  }
0xaf: {  	[dreg:$0x3] =	wrdreg s24  }
0xb0: {  	[dreg:$0x4] =	wrdreg $0x9  }
0xb1: {  	_ =	task.clear_ibuf [dreg:s7], $0x5FFFF;
	_ =	strace $0x90000046  }
0xb2: {  	s29 =	simm.s32 $0x9;
	_ =	strace $0x80000048  }
0xb3: {  	_ =	swait.ge [sflag:s29], $0x1  }
0xb4: {  	[sflag:s29] =	ssyncadd.s32 $0xFFFFFFFF  }
0xb5: {  	_ =	strace $0x90000048  }
0xb6: {  	_ =	sfence  }
0xb7: {  	s30 =	sld [smem:$0x0];
	_ =	sdelay $0x2  }
0xb8: {  	s31 =	sshll.u32 s1, $0xD;
	s1 =	sshrl.u32 s1, $0x2  }
0xb9: {  	s3 =	sand.u32 $0x4000, s31;
	s1 =	sadd.s32 s1, s30  }
0xba: {  	s0 =	sor.u32 s3, s0;
	s1 =	sshll.u32 s1, $0x11  }
0xbb: {  	s0 =	sor.u32 s1, s0  }
0xbc: {  	s0 =	sadd.s32 $0x8F2B, s0  }
0xbd: {  	[sflag:s0] =	ssyncadd.remote.s32 $0x1  }
0xbe: {  	_ =	sfence.sel $0xFFFF  }
0xbf: {  	[dreg:$0x0] =	wrdreg $0xFFFFFFFF;
	(pc) =	sbr.abs _section_cstart, $3  }
0xc0: {  	[dreg:$0x1] =	wrdreg $0xFFFFFFFF  }
0xc1: {  	_ =	task.clear_ibuf [dreg:s7], $0x2FFFF;
	_ =	strace $0x9FFFFFFF  }
0xc2: {  	(tm) =	ssettm $0x7FFFFFFF  }
0xc3: {  	_ =	shalt  }
tec
execute0_lowered:
.L_overlay_start_1:
0x0: {  	(tag) =	ssettag $0x1  }
0x1: {  	s1 =	srdreg.scid;
	s0 =	stileid.u32  }
0x2: {  	s19 =	sand.u32 $0x1, s1;
	s30 =	sshll.u32 s0, $0x1  }
0x3: {  	s7 =	sor.u32 s19, s30  }
0x4: {  	s4 =	smul.u32 $0x30000, s7  }
0x5: {  	s3 =	rddreg [dreg:$0x0]  }
0x6: {  	s8 =	rddreg [dreg:$0x1];
	s2 =	simm.s32 $0x0;
	s14 =	sshrl.u32 s4, $0x3  }
0x7: {  	[smem:$0x7FF] =	sst s2;
	s17 =	sadd.s32 s3, s14  }
0x8: {  	s1 =	rddreg [dreg:$0x2];
	_ =	strace $0x80000047;
	s3 =	sadd.s32 $0x140000, s17  }
0x9: {  	[tilespmem:s2], [sflag:$0x1] =	stream.linear.gather [hbm4b:s3+s2], $0x8000, $0x38;
	[tilespmem:$0x10000] =	vst v63  }
0xa: {  	s5 =	simm.s32 $0x8000;
	s6 =	simm.s32 $0x1;
	s4 =	sadd.s32 $0x141000, s17  }
0xb: {  	[tilespmem:s5], [sflag:$0x2] =	stream.linear.gather [hbm4b:s4+s2], $0x8000, $0x38;
	[tilespmem:$0x10000] =	vst v63  }
0xc: {  	s7 =	smul.u32 $0x6000, s7;
	_ =	swait.ge [sflag:s6], $0x8000  }
0xd: {  	s15 =	sadd.s32 $0x400, s8;
	[sflag:s6] =	ssyncset.done $0x0  }
0xe: {  	s8 =	simm.s32 $0x3;
	s7 =	sadd.s32 s15, s7;
	[sflag:s6] =	ssyncadd.s32 $0xFFFF8000  }
0xf: {  	[hbm4b:s7+s2] =	stream.linear.scatter [tilespmem:s2], [sflag:$0x3], $0x8000, $0x38;
	[tilespmem:$0x10000] =	vst v63  }
0x10: {  	_ =	swait.ge [sflag:s8], $0x8000  }
0x11: {  	[sflag:s8] =	ssyncset.done $0x0  }
0x12: {  	s10 =	simm.s32 $0x2;
	s9 =	sadd.s32 $0x142000, s17;
	[sflag:s8] =	ssyncadd.s32 $0xFFFF8000  }
0x13: {  	[tilespmem:s2], [sflag:$0x1] =	stream.linear.gather [hbm4b:s9+s2], $0x8000, $0x38;
	[tilespmem:$0x10000] =	vst v63  }
0x14: {  	_ =	swait.ge [sflag:s10], $0x8000  }
0x15: {  	[sflag:s10] =	ssyncset.done $0x0  }
0x16: {  	s11 =	simm.s32 $0x4;
	s12 =	sadd.s32 $0x1000, s7;
	[sflag:s10] =	ssyncadd.s32 $0xFFFF8000  }
0x17: {  	[hbm4b:s12+s2] =	stream.linear.scatter [tilespmem:s5], [sflag:$0x4], $0x8000, $0x38;
	[tilespmem:$0x10000] =	vst v63  }
0x18: {  	_ =	swait.ge [sflag:s11], $0x8000  }
0x19: {  	[sflag:s11] =	ssyncset.done $0x0  }
0x1a: {  	s13 =	sadd.s32 $0x143000, s17;
	[sflag:s11] =	ssyncadd.s32 $0xFFFF8000  }
0x1b: {  	[tilespmem:s5], [sflag:$0x2] =	stream.linear.gather [hbm4b:s13+s2], $0x8000, $0x38;
	[tilespmem:$0x10000] =	vst v63  }
0x1c: {  	_ =	swait.ge [sflag:s6], $0x8000  }
0x1d: {  	s20 =	sadd.s32 s15, s14;
	[sflag:s6] =	ssyncset.done $0x0  }
0x1e: {  	s14 =	sadd.s32 $0x2000, s20;
	[sflag:s6] =	ssyncadd.s32 $0xFFFF8000  }
0x1f: {  	[hbm4b:s14+s2] =	stream.linear.scatter [tilespmem:s2], [sflag:$0x3], $0x8000, $0x38;
	[tilespmem:$0x10000] =	vst v63  }
0x20: {  	_ =	swait.ge [sflag:s8], $0x8000  }
0x21: {  	[sflag:s8] =	ssyncset.done $0x0  }
0x22: {  	s15 =	sadd.s32 $0x144000, s17;
	[sflag:s8] =	ssyncadd.s32 $0xFFFF8000  }
0x23: {  	[tilespmem:s2], [sflag:$0x1] =	stream.linear.gather [hbm4b:s15+s2], $0x8000, $0x38;
	[tilespmem:$0x10000] =	vst v63  }
0x24: {  	_ =	swait.ge [sflag:s10], $0x8000  }
0x25: {  	[sflag:s10] =	ssyncset.done $0x0  }
0x26: {  	s16 =	sadd.s32 $0x3000, s20;
	[sflag:s10] =	ssyncadd.s32 $0xFFFF8000  }
0x27: {  	[hbm4b:s16+s2] =	stream.linear.scatter [tilespmem:s5], [sflag:$0x4], $0x8000, $0x38;
	[tilespmem:$0x10000] =	vst v63  }
0x28: {  	_ =	swait.ge [sflag:s11], $0x8000  }
0x29: {  	[sflag:s11] =	ssyncset.done $0x0  }
0x2a: {  	s17 =	sadd.s32 $0x145000, s17;
	[sflag:s11] =	ssyncadd.s32 $0xFFFF8000  }
0x2b: {  	[tilespmem:s5], [sflag:$0x2] =	stream.linear.gather [hbm4b:s17+s2], $0x8000, $0x38;
	[tilespmem:$0x10000] =	vst v63  }
0x2c: {  	_ =	swait.ge [sflag:s6], $0x8000  }
0x2d: {  	s21 =	ssub.s32 $0x2, s19;
	[sflag:s6] =	ssyncset.done $0x0  }
0x2e: {  	s31 =	sshrl.u32 s21, $0x1;
	s18 =	sadd.s32 $0x4000, s20;
	[sflag:s6] =	ssyncadd.s32 $0xFFFF8000  }
0x2f: {  	[hbm4b:s18+s2] =	stream.linear.scatter [tilespmem:s2], [sflag:$0x3], $0x8000, $0x38;
	[tilespmem:$0x10000] =	vst v63  }
0x30: {  	s19 =	sadd.s32 $0x5000, s20;
	s20 =	ssub.s32 s21, s31;
	_ =	swait.ge [sflag:s10], $0x8000  }
0x31: {  	s20 =	smax.u32 s20, $0x1;
	[sflag:s10] =	ssyncset.done $0x0  }
0x32: {  	p0 =	sne.s32 s20, $0x1;
	[sflag:s10] =	ssyncadd.s32 $0xFFFF8000  }
0x33: {  	[hbm4b:s19+s2] =	stream.linear.scatter [tilespmem:s5], [sflag:$0x4], $0x8000, $0x38;
	[tilespmem:$0x10000] =	vst v63  }
.Ltmp0:
0x34: {  	_ =	swait.ge [sflag:s8], $0x8000;
	(pc) =	sbr.rel @!p0 .LBB2_2-.Ltmp0, $4  }
0x35: {  	[sflag:s8] =	ssyncset.done $0x0  }
0x36: {  	[sflag:s8] =	ssyncadd.s32 $0xFFFF8000  }
0x37: {  	_ =	swait.ge [sflag:s11], $0x8000  }
0x38: {  	s20 =	sadd.s32 $0xFFFFFFFF, s20;
	[sflag:s11] =	ssyncset.done $0x0  }
.LBB2_1:
0x39: {  	p0 =	sne.s32 s20, $0x1;
	s20 =	sadd.s32 $0xFFFFFFFF, s20;
	[sflag:s11] =	ssyncadd.s32 $0xFFFF8000  }
0x3a: {  	[tilespmem:s2], [sflag:$0x1] =	stream.linear.gather [hbm4b:s3+s2], $0x8000, $0x38;
	[tilespmem:$0x10000] =	vst v63  }
0x3b: {  	_ = 	snop  }
0x3c: {  	[tilespmem:s5], [sflag:$0x2] =	stream.linear.gather [hbm4b:s4+s2], $0x8000, $0x38;
	[tilespmem:$0x10000] =	vst v63  }
0x3d: {  	_ =	swait.ge [sflag:s6], $0x8000  }
0x3e: {  	[sflag:s6] =	ssyncset.done $0x0  }
0x3f: {  	[sflag:s6] =	ssyncadd.s32 $0xFFFF8000  }
0x40: {  	[hbm4b:s7+s2] =	stream.linear.scatter [tilespmem:s2], [sflag:$0x3], $0x8000, $0x38;
	[tilespmem:$0x10000] =	vst v63  }
0x41: {  	_ =	swait.ge [sflag:s8], $0x8000  }
0x42: {  	[sflag:s8] =	ssyncset.done $0x0  }
0x43: {  	[sflag:s8] =	ssyncadd.s32 $0xFFFF8000  }
0x44: {  	[tilespmem:s2], [sflag:$0x1] =	stream.linear.gather [hbm4b:s9+s2], $0x8000, $0x38;
	[tilespmem:$0x10000] =	vst v63  }
0x45: {  	_ =	swait.ge [sflag:s10], $0x8000  }
0x46: {  	[sflag:s10] =	ssyncset.done $0x0  }
0x47: {  	[sflag:s10] =	ssyncadd.s32 $0xFFFF8000  }
0x48: {  	[hbm4b:s12+s2] =	stream.linear.scatter [tilespmem:s5], [sflag:$0x4], $0x8000, $0x38;
	[tilespmem:$0x10000] =	vst v63  }
0x49: {  	_ =	swait.ge [sflag:s11], $0x8000  }
0x4a: {  	[sflag:s11] =	ssyncset.done $0x0  }
0x4b: {  	[sflag:s11] =	ssyncadd.s32 $0xFFFF8000  }
0x4c: {  	[tilespmem:s5], [sflag:$0x2] =	stream.linear.gather [hbm4b:s13+s2], $0x8000, $0x38;
	[tilespmem:$0x10000] =	vst v63  }
0x4d: {  	_ =	swait.ge [sflag:s6], $0x8000  }
0x4e: {  	[sflag:s6] =	ssyncset.done $0x0  }
0x4f: {  	[sflag:s6] =	ssyncadd.s32 $0xFFFF8000  }
0x50: {  	[hbm4b:s14+s2] =	stream.linear.scatter [tilespmem:s2], [sflag:$0x3], $0x8000, $0x38;
	[tilespmem:$0x10000] =	vst v63  }
0x51: {  	_ =	swait.ge [sflag:s8], $0x8000  }
0x52: {  	[sflag:s8] =	ssyncset.done $0x0  }
0x53: {  	[sflag:s8] =	ssyncadd.s32 $0xFFFF8000  }
0x54: {  	[tilespmem:s2], [sflag:$0x1] =	stream.linear.gather [hbm4b:s15+s2], $0x8000, $0x38;
	[tilespmem:$0x10000] =	vst v63  }
0x55: {  	_ =	swait.ge [sflag:s10], $0x8000  }
0x56: {  	[sflag:s10] =	ssyncset.done $0x0  }
0x57: {  	[sflag:s10] =	ssyncadd.s32 $0xFFFF8000  }
0x58: {  	[hbm4b:s16+s2] =	stream.linear.scatter [tilespmem:s5], [sflag:$0x4], $0x8000, $0x38;
	[tilespmem:$0x10000] =	vst v63  }
0x59: {  	_ =	swait.ge [sflag:s11], $0x8000  }
0x5a: {  	[sflag:s11] =	ssyncset.done $0x0  }
0x5b: {  	[sflag:s11] =	ssyncadd.s32 $0xFFFF8000  }
0x5c: {  	[tilespmem:s5], [sflag:$0x2] =	stream.linear.gather [hbm4b:s17+s2], $0x8000, $0x38;
	[tilespmem:$0x10000] =	vst v63  }
0x5d: {  	_ =	swait.ge [sflag:s6], $0x8000  }
0x5e: {  	[sflag:s6] =	ssyncset.done $0x0  }
0x5f: {  	[sflag:s6] =	ssyncadd.s32 $0xFFFF8000  }
0x60: {  	[hbm4b:s18+s2] =	stream.linear.scatter [tilespmem:s2], [sflag:$0x3], $0x8000, $0x38;
	[tilespmem:$0x10000] =	vst v63  }
0x61: {  	_ =	swait.ge [sflag:s10], $0x8000  }
0x62: {  	[sflag:s10] =	ssyncset.done $0x0  }
0x63: {  	[sflag:s10] =	ssyncadd.s32 $0xFFFF8000  }
0x64: {  	[hbm4b:s19+s2] =	stream.linear.scatter [tilespmem:s5], [sflag:$0x4], $0x8000, $0x38;
	[tilespmem:$0x10000] =	vst v63  }
.Ltmp1:
0x65: {  	_ =	swait.ge [sflag:s8], $0x8000;
	(pc) =	sbr.rel @p0 .LBB2_1-.Ltmp1, $4  }
0x66: {  	[sflag:s8] =	ssyncset.done $0x0  }
0x67: {  	[sflag:s8] =	ssyncadd.s32 $0xFFFF8000  }
0x68: {  	_ =	swait.ge [sflag:s11], $0x8000  }
0x69: {  	[sflag:s11] =	ssyncset.done $0x0  }
.LBB2_2:
0x6a: {  	[sflag:s11] =	ssyncadd.s32 $0xFFFF8000  }
0x6b: {  	_ =	sfence.sel $0x180000  }
0x6c: {  	[bflag:$0x0] =	sbarrier.arrive $0xFFFF  }
0x6d: {  	p0 =	sne.s32 s0, $0x0;
	_ =	strace $0x90000047  }
0x6e: {  	s0 =	sadd.s32 @!p0 $0x100000, s1;
	[bflag:$0x2] =	sbarrier.arrive $0xFFFF  }
0x6f: {  	[sflag:s0] =	ssyncadd.tile.s32 @!p0 $0x1;
	_ =	shalt  }
.Lfunc_end2:
_tile_overlayer_lowered:
.L_overlay_start_2:
0x70: {  	(tag) =	ssettag $0x2  }
0x71: {  	s0 =	rddreg [dreg:$0x0];
	s2 =	stileid.u32  }
0x72: {  	s1 =	rddreg [dreg:$0x1];
	p0 =	sne.s32 s2, $0x0  }
0x73: {  	s3 =	rddreg [dreg:$0x2];
	[bflag:$0x3] =	sbarrier.arrive $0xFFFF;
	s2 =	simm.s32 @!p0 $0x1C05  }
0x74: {  	[timem:s3], [sflag:s2] =	dma.local @!p0 [hbm:s0], s1  }
0x75: {  	s0 =	simm.s32 @!p0 $0x5  }
0x76: {  	_ =	swait.ge @!p0 [sflag:s0], s1  }
0x77: {  	s1 =	ssub.s32 @!p0 $0x0, s1;
	[sflag:s0] =	ssyncset.done @!p0 $0x0  }
0x78: {  	[sflag:s0] =	ssyncadd.s32 @!p0 s1  }
0x79: {  	[bflag:$0x3] =	sbarrier.arrive $0xFFFF  }
0x7a: {  	_ =	shalt  }

</sc_bundles>
